<compile_context>
chip_gen: v7x
topology: tpu7x:2x2x1
jax: 0.10.2.dev20260603
libtpu: 0.0.44.dev20260713+nightly
codegen_flags: <defaults>
</compile_context>

<pallas_src>
import functools

import jax
import jax.numpy as jnp
from jax import lax
from jax.experimental import pallas as pl
from jax.experimental.pallas import tpu as pltpu
from jax.experimental.pallas import tpu_sc as plsc

N = 10000
D = 128
NP = 10240
DUMMY = 10000
E = 320000
NC, NS, L = 2, 16, 16
NWORK = NC * NS

CHUNK = 128
EP1 = 323584
EPW1 = EP1 // NWORK
C1 = EPW1 // CHUNK
EP2 = 331776
EPW2 = EP2 // NWORK
C2 = EPW2 // CHUNK
RPT = NP // NS
W16 = 16

_mesh = plsc.VectorSubcoreMesh(
    core_axis_name="c", subcore_axis_name="s", num_cores=NC, num_subcores=NS
)


def _zero_rows(ref, nrows, ncol16):
    def body(i, carry):
        for q in range(ncol16):
            ref[i, pl.ds(q * L, L)] = jnp.zeros((L,), jnp.float32)
        return carry
    lax.fori_loop(0, nrows, body, 0)


def _sage_mm_body(xp_ref, wlt_ref, wrt_ref, bl_ref, y_ref, r_ref):
    xb = xp_ref[...]
    y_ref[...] = lax.dot_general(
        xb, wlt_ref[...], (((1,), (0,)), ((), ())),
        preferred_element_type=jnp.float32)
    r_ref[...] = lax.dot_general(
        xb, wrt_ref[...], (((1,), (0,)), ((), ())),
        preferred_element_type=jnp.float32) + bl_ref[...]


_sage_mm = pl.pallas_call(
    _sage_mm_body,
    out_shape=(
        jax.ShapeDtypeStruct((NP, D), jnp.float32),
        jax.ShapeDtypeStruct((NP, D), jnp.float32),
    ),
)


@functools.partial(
    pl.kernel,
    out_type=(
        jax.ShapeDtypeStruct((NC, NP, D), jnp.float32),
        jax.ShapeDtypeStruct((NC, NP, W16), jnp.float32),
    ),
    mesh=_mesh,
    scratch_types=[
        pltpu.VMEM_SHARED((NP, D), jnp.float32),
        pltpu.VMEM_SHARED((NP, W16), jnp.float32),
        pltpu.VMEM((1, CHUNK), jnp.int32),
        pltpu.VMEM((1, CHUNK), jnp.int32),
        pltpu.VMEM((CHUNK, D), jnp.float32),
        pltpu.VMEM((CHUNK, W16), jnp.float32),
        pltpu.VMEM((CHUNK, W16), jnp.float32),
        pltpu.SemaphoreType.DMA,
    ],
    compiler_params=pltpu.CompilerParams(use_tc_tiling_on_sc=False, needs_layout_passes=False),
)
def _sage_sc(y_hbm, src_hbm, dst_hbm, accp_hbm, cntp_hbm,
             acc_sh, cnt_sh, srcv, dstv, rows_v, zbuf16, ones16, sem):
    cid = lax.axis_index("c")
    sid = lax.axis_index("s")
    wid = cid * NS + sid

    _zero_rows(rows_v, CHUNK, D // L)
    _zero_rows(zbuf16, CHUNK, 1)

    def fill_ones(i, carry):
        ones16[i, pl.ds(0, L)] = jnp.ones((L,), jnp.float32)
        return carry
    lax.fori_loop(0, CHUNK, fill_ones, 0)

    for k in range(RPT // CHUNK):
        pltpu.sync_copy(rows_v, acc_sh.at[pl.ds(sid * RPT + k * CHUNK, CHUNK)])
        pltpu.sync_copy(zbuf16, cnt_sh.at[pl.ds(sid * RPT + k * CHUNK, CHUNK)])
    plsc.subcore_barrier()

    base = wid * EPW1

    def body(k, carry):
        off = base + k * CHUNK
        pltpu.sync_copy(src_hbm.at[pl.ds(off, CHUNK)], srcv.at[0])
        pltpu.sync_copy(dst_hbm.at[pl.ds(off, CHUNK)], dstv.at[0])
        pltpu.async_copy(y_hbm.at[srcv.at[0]], rows_v, sem).wait()
        pltpu.sync_copy(rows_v, acc_sh.at[dstv.at[0]], add=True)
        pltpu.sync_copy(ones16, cnt_sh.at[dstv.at[0]], add=True)
        return carry
    lax.fori_loop(0, C1, body, 0)

    plsc.subcore_barrier()
    pltpu.sync_copy(acc_sh.at[pl.ds(sid * RPT, RPT)],
                    accp_hbm.at[cid, pl.ds(sid * RPT, RPT)])
    pltpu.sync_copy(cnt_sh.at[pl.ds(sid * RPT, RPT)],
                    cntp_hbm.at[cid, pl.ds(sid * RPT, RPT)])


def _mid_body(accp_ref, cntp_ref, r_ref, gwt_ref, ats_ref, atd_ref,
              h2_ref, as_ref, ad_ref, cs_ref):
    acc = accp_ref[0] + accp_ref[1]
    cnt = (cntp_ref[0] + cntp_ref[1])[:, 0:1]
    mean = acc / jnp.maximum(cnt, 1.0)
    h = jnp.maximum(mean + r_ref[...], 0.0)
    h2 = lax.dot_general(
        h, gwt_ref[...], (((1,), (0,)), ((), ())),
        preferred_element_type=jnp.float32)
    h2_ref[...] = h2
    a_s = jnp.sum(h2 * ats_ref[...], axis=1, keepdims=True)
    a_d = jnp.sum(h2 * atd_ref[...], axis=1, keepdims=True)
    ridx = lax.broadcasted_iota(jnp.int32, (NP, 1), 0)
    valid = ridx < N
    a_s = jnp.where(valid, a_s, -3e38)
    a_d = jnp.where(valid, a_d, -3e38)
    as_ref[...] = a_s
    ad_ref[...] = a_d
    m = jnp.max(a_s) + jnp.max(a_d)
    cs_ref[...] = jnp.full((1, D), jnp.where(m > 0.0, m, 0.2 * m),
                           jnp.float32)


_mid_tc = pl.pallas_call(
    _mid_body,
    out_shape=(
        jax.ShapeDtypeStruct((NP, D), jnp.float32),
        jax.ShapeDtypeStruct((NP, 1), jnp.float32),
        jax.ShapeDtypeStruct((NP, 1), jnp.float32),
        jax.ShapeDtypeStruct((1, D), jnp.float32),
    ),
)


@functools.partial(
    pl.kernel,
    out_type=(
        jax.ShapeDtypeStruct((NC, NP, D), jnp.float32),
        jax.ShapeDtypeStruct((NC, NP, W16), jnp.float32),
    ),
    mesh=_mesh,
    scratch_types=[
        pltpu.VMEM_SHARED((NP, D), jnp.float32),
        pltpu.VMEM_SHARED((NP, W16), jnp.float32),
        pltpu.VMEM((1, CHUNK), jnp.int32),
        pltpu.VMEM((1, CHUNK), jnp.int32),
        pltpu.VMEM((CHUNK,), jnp.float32),
        pltpu.VMEM((CHUNK,), jnp.float32),
        pltpu.VMEM((CHUNK,), jnp.float32),
        pltpu.VMEM((CHUNK, W16), jnp.float32),
        pltpu.VMEM((CHUNK, D), jnp.float32),
        pltpu.VMEM((CHUNK, W16), jnp.float32),
        pltpu.VMEM((L,), jnp.float32),
        pltpu.SemaphoreType.DMA,
    ],
    compiler_params=pltpu.CompilerParams(use_tc_tiling_on_sc=False, needs_layout_passes=False),
)
def _gat_sc(h2_hbm, as_hbm, ad_hbm, cs_hbm, src_hbm, dst_hbm, accp_hbm,
            sp_hbm, acc_sh, ssum_sh, srcv, dstv, asg, adg, ev, ebuf,
            rows_v, zbuf16, csv, sem):
    cid = lax.axis_index("c")
    sid = lax.axis_index("s")
    wid = cid * NS + sid

    _zero_rows(rows_v, CHUNK, D // L)
    _zero_rows(zbuf16, CHUNK, 1)
    for k in range(RPT // CHUNK):
        pltpu.sync_copy(rows_v, acc_sh.at[pl.ds(sid * RPT + k * CHUNK, CHUNK)])
        pltpu.sync_copy(zbuf16, ssum_sh.at[pl.ds(sid * RPT + k * CHUNK, CHUNK)])
    plsc.subcore_barrier()

    pltpu.sync_copy(cs_hbm.at[pl.ds(0, L)], csv)
    cshift = csv[pl.ds(0, L)]

    base = wid * EPW2

    def body(k, carry):
        off = base + k * CHUNK
        pltpu.sync_copy(src_hbm.at[pl.ds(off, CHUNK)], srcv.at[0])
        pltpu.sync_copy(dst_hbm.at[pl.ds(off, CHUNK)], dstv.at[0])
        pltpu.async_copy(h2_hbm.at[srcv.at[0]], rows_v, sem).wait()
        pltpu.async_copy(as_hbm.at[srcv.at[0]], asg, sem).wait()
        pltpu.async_copy(ad_hbm.at[dstv.at[0]], adg, sem).wait()
        for q in range(CHUNK // L):
            z = asg[pl.ds(q * L, L)] + adg[pl.ds(q * L, L)]
            z = jnp.where(z > 0.0, z, 0.2 * z) - cshift
            ev[pl.ds(q * L, L)] = jnp.exp(z)

        def scale(i, carry2):
            b = plsc.load_gather(ev, [jnp.full((L,), i, jnp.int32)])
            ebuf[i, pl.ds(0, L)] = b
            for q in range(D // L):
                rows_v[i, pl.ds(q * L, L)] = rows_v[i, pl.ds(q * L, L)] * b
            return carry2
        lax.fori_loop(0, CHUNK, scale, 0)

        pltpu.sync_copy(rows_v, acc_sh.at[dstv.at[0]], add=True)
        pltpu.sync_copy(ebuf, ssum_sh.at[dstv.at[0]], add=True)
        return carry
    lax.fori_loop(0, C2, body, 0)

    plsc.subcore_barrier()
    pltpu.sync_copy(acc_sh.at[pl.ds(sid * RPT, RPT)],
                    accp_hbm.at[cid, pl.ds(sid * RPT, RPT)])
    pltpu.sync_copy(ssum_sh.at[pl.ds(sid * RPT, RPT)],
                    sp_hbm.at[cid, pl.ds(sid * RPT, RPT)])


def _fin_body(accp_ref, sp_ref, bias_ref, out_ref):
    o = accp_ref[0] + accp_ref[1]
    s = (sp_ref[0] + sp_ref[1])[:, 0:1]
    o = o / (s + 1e-16) + bias_ref[...]
    mx = jnp.max(o, axis=1, keepdims=True)
    lse = jnp.log(jnp.sum(jnp.exp(o - mx), axis=1, keepdims=True)) + mx
    out_ref[...] = (o - lse)[:N]


_fin_tc = pl.pallas_call(
    _fin_body,
    out_shape=jax.ShapeDtypeStruct((N, D), jnp.float32),
)


def kernel(x, edge_index, sage_w_l, sage_b_l, sage_w_r, gat_w,
           gat_att_src, gat_att_dst, gat_bias):
    src = edge_index[0].astype(jnp.int32)
    dst = edge_index[1].astype(jnp.int32)
    xp = jnp.pad(x, ((0, NP - N), (0, 0)))

    pad1 = EP1 - E
    src1 = jnp.concatenate([src, jnp.zeros((pad1,), jnp.int32)])
    dst1 = jnp.concatenate([dst, jnp.full((pad1,), DUMMY, jnp.int32)])

    loops = jnp.arange(N, dtype=jnp.int32)
    pad2 = EP2 - (E + N)
    src2 = jnp.concatenate([src, loops, jnp.zeros((pad2,), jnp.int32)])
    dst2 = jnp.concatenate([dst, loops, jnp.full((pad2,), DUMMY, jnp.int32)])

    y, r = _sage_mm(xp, sage_w_l.T, sage_w_r.T, sage_b_l)
    accp, cntp = _sage_sc(y, src1, dst1)
    h2, a_s2, a_d2, cs = _mid_tc(accp, cntp, r, gat_w.T,
                                 gat_att_src, gat_att_dst)
    accp2, sp = _gat_sc(h2, a_s2.reshape(NP), a_d2.reshape(NP),
                        cs.reshape(D), src2, dst2)
    return _fin_tc(accp2, sp, gat_bias)

# --- scband reference (transcript-rebuilt; emitter-appended) ---
"""Pipeline reference for scband-gnn-9689446219975 (READ-ONLY COPY).

The authoritative reference and input builder live on the scoring server;
editing this copy changes nothing except your own understanding.
"""

import jax, jax.numpy as jnp
import numpy as np

N_NODES = 10000
N_EDGES = 320000
D_IN = 128
D_HID = 128
D_OUT = 128


def setup_inputs(seed: int = 0) -> dict:
    key = jax.random.key(seed)
    ks = jax.random.split(key, 10)
    s_in = 1.0 / np.sqrt(D_IN)
    s_hid = 1.0 / np.sqrt(D_HID)
    return {
        "x": jax.random.normal(ks[0], (N_NODES, D_IN), dtype=jnp.float32),
        "edge_index": jax.random.randint(ks[1], (2, N_EDGES), 0, N_NODES, dtype=jnp.int64),
        "sage_w_l": jax.random.normal(ks[2], (D_HID, D_IN), dtype=jnp.float32) * s_in,
        "sage_b_l": jnp.zeros((D_HID,), dtype=jnp.float32),
        "sage_w_r": jax.random.normal(ks[3], (D_HID, D_IN), dtype=jnp.float32) * s_in,
        "gat_w": jax.random.normal(ks[4], (D_OUT, D_HID), dtype=jnp.float32) * s_hid,
        "gat_att_src": jax.random.normal(ks[5], (D_OUT,), dtype=jnp.float32) * s_hid,
        "gat_att_dst": jax.random.normal(ks[6], (D_OUT,), dtype=jnp.float32) * s_hid,
        "gat_bias": jnp.zeros((D_OUT,), dtype=jnp.float32),
    }


def _sage_conv(x, src, dst, w_l, b_l, w_r, n_nodes):
    # PyG SAGEConv default: mean aggregation of source features onto dst,
    # then lin_l(agg) + lin_r(x)  (lin_l has bias, lin_r has none)
    msgs = x[src]
    agg = jax.ops.segment_sum(msgs, dst, num_segments=n_nodes)
    cnt = jax.ops.segment_sum(jnp.ones((src.shape[0],), dtype=x.dtype), dst, num_segments=n_nodes)
    mean = agg / jnp.maximum(cnt, 1.0)[:, None]
    return mean @ w_l.T + b_l + x @ w_r.T


def _gat_conv(x, src, dst, w, att_src, att_dst, bias, n_nodes):
    # PyG GATConv with heads=1, add_self_loops=True, negative_slope=0.2
    loops = jnp.arange(n_nodes, dtype=src.dtype)
    src = jnp.concatenate([src, loops])
    dst = jnp.concatenate([dst, loops])
    h = x @ w.T
    a_s = h @ att_src  # per-node source attention score
    a_d = h @ att_dst  # per-node dest attention score
    e = a_s[src] + a_d[dst]
    e = jnp.where(e > 0, e, 0.2 * e)  # leaky_relu(0.2)
    m = jax.ops.segment_max(e, dst, num_segments=n_nodes)
    e = jnp.exp(e - m[dst])
    s = jax.ops.segment_sum(e, dst, num_segments=n_nodes)
    alpha = e / (s[dst] + 1e-16)
    out = jax.ops.segment_sum(h[src] * alpha[:, None], dst, num_segments=n_nodes)
    return out + bias


def reference(x, edge_index, sage_w_l, sage_b_l, sage_w_r, gat_w, gat_att_src, gat_att_dst, gat_bias):
    n_nodes = x.shape[0]
    src, dst = edge_index[0], edge_index[1]
    h = _sage_conv(x, src, dst, sage_w_l, sage_b_l, sage_w_r, n_nodes)
    h = jax.nn.relu(h)
    # dropout(p=0.5) is identity in eval mode
    h = _gat_conv(h, src, dst, gat_w, gat_att_src, gat_att_dst, gat_bias, n_nodes)
    return jax.nn.log_softmax(h, axis=1)

if __name__ == "__main__":
    import jax
    _d = setup_inputs()
    print(jax.jit(kernel)(*tuple(_d.values())))

</pallas_src>

<mosaic_0001>
#map = affine_map<(d0, d1) -> (0, 0)>
#map1 = affine_map<(d0, d1) -> (0)>
#map2 = affine_map<(d0, d1) -> (0, 0, 0)>
module attributes {stable_mosaic.version = 14 : i64} {
  func.func @_sage_sc(%arg0: i32, %arg1: i32, %arg2: memref<10240x128xf32, #tpu.memory_space<hbm>>, %arg3: memref<323584xi32, #tpu.memory_space<hbm>>, %arg4: memref<323584xi32, #tpu.memory_space<hbm>>, %arg5: memref<2x10240x128xf32, #tpu.memory_space<hbm>>, %arg6: memref<2x10240x16xf32, #tpu.memory_space<hbm>>, %arg7: memref<10240x128xf32, #tpu.memory_space<vmem_shared>>, %arg8: memref<10240x16xf32, #tpu.memory_space<vmem_shared>>, %arg9: memref<1x128xi32, #tpu.memory_space<vmem>>, %arg10: memref<1x128xi32, #tpu.memory_space<vmem>>, %arg11: memref<128x128xf32, #tpu.memory_space<vmem>>, %arg12: memref<128x16xf32, #tpu.memory_space<vmem>>, %arg13: memref<128x16xf32, #tpu.memory_space<vmem>>, %arg14: memref<!tpu.dma_semaphore, #tpu.memory_space<semaphore_mem>>) attributes {dimension_semantics = [#tpu.dimension_semantics<core_parallel>, #tpu.dimension_semantics<subcore_parallel>], iteration_bounds = array<i64: 2, 16>, scalar_prefetch = 0 : i64, scratch_operands = 8 : i64, tpu.core_type = #tpu.core_type<sc_vector_subcore>, window_params = [{transform_indices = #map}, {transform_indices = #map1}, {transform_indices = #map1}, {transform_indices = #map2}, {transform_indices = #map2}]} {
    %mul3A = arith.constant 16 : i32
    %mul3A_0 = arith.muli %arg0, %mul3A : i32
    %add3A = arith.addi %mul3A_0, %arg1 : i32
    %scan3A = arith.constant 0 : i32
    %scan3A_1 = arith.constant 0 : i32
    %scan3A_2 = arith.constant 128 : i32
    %scan3A_3 = arith.addi %scan3A_1, %scan3A_2 : i32
    %scan3A_4 = arith.constant 1 : i32
    scf.for %scan3A_75 = %scan3A_1 to %scan3A_3 step %scan3A_4  : i32 {
      %broadcast_in_dim3A = arith.constant 0.000000e+00 : f32
      %broadcast_in_dim3A_76 = vector.broadcast %broadcast_in_dim3A : f32 to vector<16xf32>
      %swap3A = arith.index_cast %scan3A_75 : i32 to index
      %swap3A_77 = arith.constant 0 : index
      %swap3A_78 = tpu.vector_load %arg11[%swap3A, %swap3A_77] {strides = array<i32>} : memref<128x128xf32, #tpu.memory_space<vmem>>, vector<16xf32>,
      tpu.vector_store %arg11[%swap3A, %swap3A_77], %broadcast_in_dim3A_76 {strides = array<i32>} : memref<128x128xf32, #tpu.memory_space<vmem>>, vector<16xf32>,
      %broadcast_in_dim3A_79 = arith.constant 0.000000e+00 : f32
      %broadcast_in_dim3A_80 = vector.broadcast %broadcast_in_dim3A_79 : f32 to vector<16xf32>
      %swap3A_81 = arith.index_cast %scan3A_75 : i32 to index
      %swap3A_82 = arith.constant 16 : index
      %swap3A_83 = tpu.vector_load %arg11[%swap3A_81, %swap3A_82] {strides = array<i32>} : memref<128x128xf32, #tpu.memory_space<vmem>>, vector<16xf32>,
      tpu.vector_store %arg11[%swap3A_81, %swap3A_82], %broadcast_in_dim3A_80 {strides = array<i32>} : memref<128x128xf32, #tpu.memory_space<vmem>>, vector<16xf32>,
      %broadcast_in_dim3A_84 = arith.constant 0.000000e+00 : f32
      %broadcast_in_dim3A_85 = vector.broadcast %broadcast_in_dim3A_84 : f32 to vector<16xf32>
      %swap3A_86 = arith.index_cast %scan3A_75 : i32 to index
      %swap3A_87 = arith.constant 32 : index
      %swap3A_88 = tpu.vector_load %arg11[%swap3A_86, %swap3A_87] {strides = array<i32>} : memref<128x128xf32, #tpu.memory_space<vmem>>, vector<16xf32>,
      tpu.vector_store %arg11[%swap3A_86, %swap3A_87], %broadcast_in_dim3A_85 {strides = array<i32>} : memref<128x128xf32, #tpu.memory_space<vmem>>, vector<16xf32>,
      %broadcast_in_dim3A_89 = arith.constant 0.000000e+00 : f32
      %broadcast_in_dim3A_90 = vector.broadcast %broadcast_in_dim3A_89 : f32 to vector<16xf32>
      %swap3A_91 = arith.index_cast %scan3A_75 : i32 to index
      %swap3A_92 = arith.constant 48 : index
      %swap3A_93 = tpu.vector_load %arg11[%swap3A_91, %swap3A_92] {strides = array<i32>} : memref<128x128xf32, #tpu.memory_space<vmem>>, vector<16xf32>,
      tpu.vector_store %arg11[%swap3A_91, %swap3A_92], %broadcast_in_dim3A_90 {strides = array<i32>} : memref<128x128xf32, #tpu.memory_space<vmem>>, vector<16xf32>,
      %broadcast_in_dim3A_94 = arith.constant 0.000000e+00 : f32
      %broadcast_in_dim3A_95 = vector.broadcast %broadcast_in_dim3A_94 : f32 to vector<16xf32>
      %swap3A_96 = arith.index_cast %scan3A_75 : i32 to index
      %swap3A_97 = arith.constant 64 : index
      %swap3A_98 = tpu.vector_load %arg11[%swap3A_96, %swap3A_97] {strides = array<i32>} : memref<128x128xf32, #tpu.memory_space<vmem>>, vector<16xf32>,
      tpu.vector_store %arg11[%swap3A_96, %swap3A_97], %broadcast_in_dim3A_95 {strides = array<i32>} : memref<128x128xf32, #tpu.memory_space<vmem>>, vector<16xf32>,
      %broadcast_in_dim3A_99 = arith.constant 0.000000e+00 : f32
      %broadcast_in_dim3A_100 = vector.broadcast %broadcast_in_dim3A_99 : f32 to vector<16xf32>
      %swap3A_101 = arith.index_cast %scan3A_75 : i32 to index
      %swap3A_102 = arith.constant 80 : index
      %swap3A_103 = tpu.vector_load %arg11[%swap3A_101, %swap3A_102] {strides = array<i32>} : memref<128x128xf32, #tpu.memory_space<vmem>>, vector<16xf32>,
      tpu.vector_store %arg11[%swap3A_101, %swap3A_102], %broadcast_in_dim3A_100 {strides = array<i32>} : memref<128x128xf32, #tpu.memory_space<vmem>>, vector<16xf32>,
      %broadcast_in_dim3A_104 = arith.constant 0.000000e+00 : f32
      %broadcast_in_dim3A_105 = vector.broadcast %broadcast_in_dim3A_104 : f32 to vector<16xf32>
      %swap3A_106 = arith.index_cast %scan3A_75 : i32 to index
      %swap3A_107 = arith.constant 96 : index
      %swap3A_108 = tpu.vector_load %arg11[%swap3A_106, %swap3A_107] {strides = array<i32>} : memref<128x128xf32, #tpu.memory_space<vmem>>, vector<16xf32>,
      tpu.vector_store %arg11[%swap3A_106, %swap3A_107], %broadcast_in_dim3A_105 {strides = array<i32>} : memref<128x128xf32, #tpu.memory_space<vmem>>, vector<16xf32>,
      %broadcast_in_dim3A_109 = arith.constant 0.000000e+00 : f32
      %broadcast_in_dim3A_110 = vector.broadcast %broadcast_in_dim3A_109 : f32 to vector<16xf32>
      %swap3A_111 = arith.index_cast %scan3A_75 : i32 to index
      %swap3A_112 = arith.constant 112 : index
      %swap3A_113 = tpu.vector_load %arg11[%swap3A_111, %swap3A_112] {strides = array<i32>} : memref<128x128xf32, #tpu.memory_space<vmem>>, vector<16xf32>,
      tpu.vector_store %arg11[%swap3A_111, %swap3A_112], %broadcast_in_dim3A_110 {strides = array<i32>} : memref<128x128xf32, #tpu.memory_space<vmem>>, vector<16xf32>,
    }
    %scan3A_5 = arith.constant 128 : i32
    %scan3A_6 = arith.constant 0 : i32
    %scan3A_7 = arith.constant 0 : i32
    %scan3A_8 = arith.constant 128 : i32
    %scan3A_9 = arith.addi %scan3A_7, %scan3A_8 : i32
    %scan3A_10 = arith.constant 1 : i32
    scf.for %scan3A_75 = %scan3A_7 to %scan3A_9 step %scan3A_10  : i32 {
      %broadcast_in_dim3A = arith.constant 0.000000e+00 : f32
      %broadcast_in_dim3A_76 = vector.broadcast %broadcast_in_dim3A : f32 to vector<16xf32>
      %swap3A = arith.index_cast %scan3A_75 : i32 to index
      %swap3A_77 = arith.constant 0 : index
      %swap3A_78 = tpu.vector_load %arg12[%swap3A, %swap3A_77] {strides = array<i32>} : memref<128x16xf32, #tpu.memory_space<vmem>>, vector<16xf32>,
      tpu.vector_store %arg12[%swap3A, %swap3A_77], %broadcast_in_dim3A_76 {strides = array<i32>} : memref<128x16xf32, #tpu.memory_space<vmem>>, vector<16xf32>,
    }
    %scan3A_11 = arith.constant 128 : i32
    %scan3A_12 = arith.constant 0 : i32
    %scan3A_13 = arith.constant 0 : i32
    %scan3A_14 = arith.constant 128 : i32
    %scan3A_15 = arith.addi %scan3A_13, %scan3A_14 : i32
    %scan3A_16 = arith.constant 1 : i32
    scf.for %scan3A_75 = %scan3A_13 to %scan3A_15 step %scan3A_16  : i32 {
      %broadcast_in_dim3A = arith.constant 1.000000e+00 : f32
      %broadcast_in_dim3A_76 = vector.broadcast %broadcast_in_dim3A : f32 to vector<16xf32>
      %swap3A = arith.index_cast %scan3A_75 : i32 to index
      %swap3A_77 = arith.constant 0 : index
      %swap3A_78 = tpu.vector_load %arg13[%swap3A, %swap3A_77] {strides = array<i32>} : memref<128x16xf32, #tpu.memory_space<vmem>>, vector<16xf32>,
      tpu.vector_store %arg13[%swap3A, %swap3A_77], %broadcast_in_dim3A_76 {strides = array<i32>} : memref<128x16xf32, #tpu.memory_space<vmem>>, vector<16xf32>,
    }
    %scan3A_17 = arith.constant 128 : i32
    %mul3A_18 = arith.constant 640 : i32
    %mul3A_19 = arith.muli %arg1, %mul3A_18 : i32
    %add3A_20 = arith.constant 0 : i32
    %add3A_21 = arith.addi %mul3A_19, %add3A_20 : i32
    "tpu.region"() ({
      %run_scoped3A = tpu.sem_alloc : memref<!tpu.dma_semaphore, #tpu.memory_space<semaphore_mem>>
      %dma_start3A = arith.constant 0 : i32
      %dma_start3A_75 = tpu.memref_slice %arg7[%add3A_21, %dma_start3A] : memref<10240x128xf32, #tpu.memory_space<vmem_shared>> -> memref<128x128xf32, #tpu.memory_space<vmem_shared>>
      %dma_start3A_76 = arith.constant 0 : i32
      %dma_start3A_77 = tpu.memref_slice %arg7[%add3A_21, %dma_start3A_76] : memref<10240x128xf32, #tpu.memory_space<vmem_shared>> -> memref<128x128xf32, #tpu.memory_space<vmem_shared>>
      tpu.enqueue_dma source(%arg11 : memref<128x128xf32, #tpu.memory_space<vmem>>) target(%dma_start3A_77 : memref<128x128xf32, #tpu.memory_space<vmem_shared>>) target_semaphore(%run_scoped3A : memref<!tpu.dma_semaphore, #tpu.memory_space<semaphore_mem>>)
      %dma_wait3A = arith.constant 0 : i32
      %dma_wait3A_78 = tpu.memref_slice %arg7[%add3A_21, %dma_wait3A] : memref<10240x128xf32, #tpu.memory_space<vmem_shared>> -> memref<128x128xf32, #tpu.memory_space<vmem_shared>>
      %dma_wait3A_79 = arith.constant 0 : i32
      %dma_wait3A_80 = tpu.memref_slice %arg7[%add3A_21, %dma_wait3A_79] : memref<10240x128xf32, #tpu.memory_space<vmem_shared>> -> memref<128x128xf32, #tpu.memory_space<vmem_shared>>
      tpu.wait_dma2 semaphore(%run_scoped3A : memref<!tpu.dma_semaphore, #tpu.memory_space<semaphore_mem>>) src(%arg11 : memref<128x128xf32, #tpu.memory_space<vmem>>) dst(%dma_wait3A_80 : memref<128x128xf32, #tpu.memory_space<vmem_shared>>)
      tpu.yield
    }) : () -> ()
    %mul3A_22 = arith.constant 640 : i32
    %mul3A_23 = arith.muli %arg1, %mul3A_22 : i32
    %add3A_24 = arith.constant 0 : i32
    %add3A_25 = arith.addi %mul3A_23, %add3A_24 : i32
    "tpu.region"() ({
      %run_scoped3A = tpu.sem_alloc : memref<!tpu.dma_semaphore, #tpu.memory_space<semaphore_mem>>
      %dma_start3A = arith.constant 0 : i32
      %dma_start3A_75 = tpu.memref_slice %arg8[%add3A_25, %dma_start3A] : memref<10240x16xf32, #tpu.memory_space<vmem_shared>> -> memref<128x16xf32, #tpu.memory_space<vmem_shared>>
      %dma_start3A_76 = arith.constant 0 : i32
      %dma_start3A_77 = tpu.memref_slice %arg8[%add3A_25, %dma_start3A_76] : memref<10240x16xf32, #tpu.memory_space<vmem_shared>> -> memref<128x16xf32, #tpu.memory_space<vmem_shared>>
      tpu.enqueue_dma source(%arg12 : memref<128x16xf32, #tpu.memory_space<vmem>>) target(%dma_start3A_77 : memref<128x16xf32, #tpu.memory_space<vmem_shared>>) target_semaphore(%run_scoped3A : memref<!tpu.dma_semaphore, #tpu.memory_space<semaphore_mem>>)
      %dma_wait3A = arith.constant 0 : i32
      %dma_wait3A_78 = tpu.memref_slice %arg8[%add3A_25, %dma_wait3A] : memref<10240x16xf32, #tpu.memory_space<vmem_shared>> -> memref<128x16xf32, #tpu.memory_space<vmem_shared>>
      %dma_wait3A_79 = arith.constant 0 : i32
      %dma_wait3A_80 = tpu.memref_slice %arg8[%add3A_25, %dma_wait3A_79] : memref<10240x16xf32, #tpu.memory_space<vmem_shared>> -> memref<128x16xf32, #tpu.memory_space<vmem_shared>>
      tpu.wait_dma2 semaphore(%run_scoped3A : memref<!tpu.dma_semaphore, #tpu.memory_space<semaphore_mem>>) src(%arg12 : memref<128x16xf32, #tpu.memory_space<vmem>>) dst(%dma_wait3A_80 : memref<128x16xf32, #tpu.memory_space<vmem_shared>>)
      tpu.yield
    }) : () -> ()
    %mul3A_26 = arith.constant 640 : i32
    %mul3A_27 = arith.muli %arg1, %mul3A_26 : i32
    %add3A_28 = arith.constant 128 : i32
    %add3A_29 = arith.addi %mul3A_27, %add3A_28 : i32
    "tpu.region"() ({
      %run_scoped3A = tpu.sem_alloc : memref<!tpu.dma_semaphore, #tpu.memory_space<semaphore_mem>>
      %dma_start3A = arith.constant 0 : i32
      %dma_start3A_75 = tpu.memref_slice %arg7[%add3A_29, %dma_start3A] : memref<10240x128xf32, #tpu.memory_space<vmem_shared>> -> memref<128x128xf32, #tpu.memory_space<vmem_shared>>
      %dma_start3A_76 = arith.constant 0 : i32
      %dma_start3A_77 = tpu.memref_slice %arg7[%add3A_29, %dma_start3A_76] : memref<10240x128xf32, #tpu.memory_space<vmem_shared>> -> memref<128x128xf32, #tpu.memory_space<vmem_shared>>
      tpu.enqueue_dma source(%arg11 : memref<128x128xf32, #tpu.memory_space<vmem>>) target(%dma_start3A_77 : memref<128x128xf32, #tpu.memory_space<vmem_shared>>) target_semaphore(%run_scoped3A : memref<!tpu.dma_semaphore, #tpu.memory_space<semaphore_mem>>)
      %dma_wait3A = arith.constant 0 : i32
      %dma_wait3A_78 = tpu.memref_slice %arg7[%add3A_29, %dma_wait3A] : memref<10240x128xf32, #tpu.memory_space<vmem_shared>> -> memref<128x128xf32, #tpu.memory_space<vmem_shared>>
      %dma_wait3A_79 = arith.constant 0 : i32
      %dma_wait3A_80 = tpu.memref_slice %arg7[%add3A_29, %dma_wait3A_79] : memref<10240x128xf32, #tpu.memory_space<vmem_shared>> -> memref<128x128xf32, #tpu.memory_space<vmem_shared>>
      tpu.wait_dma2 semaphore(%run_scoped3A : memref<!tpu.dma_semaphore, #tpu.memory_space<semaphore_mem>>) src(%arg11 : memref<128x128xf32, #tpu.memory_space<vmem>>) dst(%dma_wait3A_80 : memref<128x128xf32, #tpu.memory_space<vmem_shared>>)
      tpu.yield
    }) : () -> ()
    %mul3A_30 = arith.constant 640 : i32
    %mul3A_31 = arith.muli %arg1, %mul3A_30 : i32
    %add3A_32 = arith.constant 128 : i32
    %add3A_33 = arith.addi %mul3A_31, %add3A_32 : i32
    "tpu.region"() ({
      %run_scoped3A = tpu.sem_alloc : memref<!tpu.dma_semaphore, #tpu.memory_space<semaphore_mem>>
      %dma_start3A = arith.constant 0 : i32
      %dma_start3A_75 = tpu.memref_slice %arg8[%add3A_33, %dma_start3A] : memref<10240x16xf32, #tpu.memory_space<vmem_shared>> -> memref<128x16xf32, #tpu.memory_space<vmem_shared>>
      %dma_start3A_76 = arith.constant 0 : i32
      %dma_start3A_77 = tpu.memref_slice %arg8[%add3A_33, %dma_start3A_76] : memref<10240x16xf32, #tpu.memory_space<vmem_shared>> -> memref<128x16xf32, #tpu.memory_space<vmem_shared>>
      tpu.enqueue_dma source(%arg12 : memref<128x16xf32, #tpu.memory_space<vmem>>) target(%dma_start3A_77 : memref<128x16xf32, #tpu.memory_space<vmem_shared>>) target_semaphore(%run_scoped3A : memref<!tpu.dma_semaphore, #tpu.memory_space<semaphore_mem>>)
      %dma_wait3A = arith.constant 0 : i32
      %dma_wait3A_78 = tpu.memref_slice %arg8[%add3A_33, %dma_wait3A] : memref<10240x16xf32, #tpu.memory_space<vmem_shared>> -> memref<128x16xf32, #tpu.memory_space<vmem_shared>>
      %dma_wait3A_79 = arith.constant 0 : i32
      %dma_wait3A_80 = tpu.memref_slice %arg8[%add3A_33, %dma_wait3A_79] : memref<10240x16xf32, #tpu.memory_space<vmem_shared>> -> memref<128x16xf32, #tpu.memory_space<vmem_shared>>
      tpu.wait_dma2 semaphore(%run_scoped3A : memref<!tpu.dma_semaphore, #tpu.memory_space<semaphore_mem>>) src(%arg12 : memref<128x16xf32, #tpu.memory_space<vmem>>) dst(%dma_wait3A_80 : memref<128x16xf32, #tpu.memory_space<vmem_shared>>)
      tpu.yield
    }) : () -> ()
    %mul3A_34 = arith.constant 640 : i32
    %mul3A_35 = arith.muli %arg1, %mul3A_34 : i32
    %add3A_36 = arith.constant 256 : i32
    %add3A_37 = arith.addi %mul3A_35, %add3A_36 : i32
    "tpu.region"() ({
      %run_scoped3A = tpu.sem_alloc : memref<!tpu.dma_semaphore, #tpu.memory_space<semaphore_mem>>
      %dma_start3A = arith.constant 0 : i32
      %dma_start3A_75 = tpu.memref_slice %arg7[%add3A_37, %dma_start3A] : memref<10240x128xf32, #tpu.memory_space<vmem_shared>> -> memref<128x128xf32, #tpu.memory_space<vmem_shared>>
      %dma_start3A_76 = arith.constant 0 : i32
      %dma_start3A_77 = tpu.memref_slice %arg7[%add3A_37, %dma_start3A_76] : memref<10240x128xf32, #tpu.memory_space<vmem_shared>> -> memref<128x128xf32, #tpu.memory_space<vmem_shared>>
      tpu.enqueue_dma source(%arg11 : memref<128x128xf32, #tpu.memory_space<vmem>>) target(%dma_start3A_77 : memref<128x128xf32, #tpu.memory_space<vmem_shared>>) target_semaphore(%run_scoped3A : memref<!tpu.dma_semaphore, #tpu.memory_space<semaphore_mem>>)
      %dma_wait3A = arith.constant 0 : i32
      %dma_wait3A_78 = tpu.memref_slice %arg7[%add3A_37, %dma_wait3A] : memref<10240x128xf32, #tpu.memory_space<vmem_shared>> -> memref<128x128xf32, #tpu.memory_space<vmem_shared>>
      %dma_wait3A_79 = arith.constant 0 : i32
      %dma_wait3A_80 = tpu.memref_slice %arg7[%add3A_37, %dma_wait3A_79] : memref<10240x128xf32, #tpu.memory_space<vmem_shared>> -> memref<128x128xf32, #tpu.memory_space<vmem_shared>>
      tpu.wait_dma2 semaphore(%run_scoped3A : memref<!tpu.dma_semaphore, #tpu.memory_space<semaphore_mem>>) src(%arg11 : memref<128x128xf32, #tpu.memory_space<vmem>>) dst(%dma_wait3A_80 : memref<128x128xf32, #tpu.memory_space<vmem_shared>>)
      tpu.yield
    }) : () -> ()
    %mul3A_38 = arith.constant 640 : i32
    %mul3A_39 = arith.muli %arg1, %mul3A_38 : i32
    %add3A_40 = arith.constant 256 : i32
    %add3A_41 = arith.addi %mul3A_39, %add3A_40 : i32
    "tpu.region"() ({
      %run_scoped3A = tpu.sem_alloc : memref<!tpu.dma_semaphore, #tpu.memory_space<semaphore_mem>>
      %dma_start3A = arith.constant 0 : i32
      %dma_start3A_75 = tpu.memref_slice %arg8[%add3A_41, %dma_start3A] : memref<10240x16xf32, #tpu.memory_space<vmem_shared>> -> memref<128x16xf32, #tpu.memory_space<vmem_shared>>
      %dma_start3A_76 = arith.constant 0 : i32
      %dma_start3A_77 = tpu.memref_slice %arg8[%add3A_41, %dma_start3A_76] : memref<10240x16xf32, #tpu.memory_space<vmem_shared>> -> memref<128x16xf32, #tpu.memory_space<vmem_shared>>
      tpu.enqueue_dma source(%arg12 : memref<128x16xf32, #tpu.memory_space<vmem>>) target(%dma_start3A_77 : memref<128x16xf32, #tpu.memory_space<vmem_shared>>) target_semaphore(%run_scoped3A : memref<!tpu.dma_semaphore, #tpu.memory_space<semaphore_mem>>)
      %dma_wait3A = arith.constant 0 : i32
      %dma_wait3A_78 = tpu.memref_slice %arg8[%add3A_41, %dma_wait3A] : memref<10240x16xf32, #tpu.memory_space<vmem_shared>> -> memref<128x16xf32, #tpu.memory_space<vmem_shared>>
      %dma_wait3A_79 = arith.constant 0 : i32
      %dma_wait3A_80 = tpu.memref_slice %arg8[%add3A_41, %dma_wait3A_79] : memref<10240x16xf32, #tpu.memory_space<vmem_shared>> -> memref<128x16xf32, #tpu.memory_space<vmem_shared>>
      tpu.wait_dma2 semaphore(%run_scoped3A : memref<!tpu.dma_semaphore, #tpu.memory_space<semaphore_mem>>) src(%arg12 : memref<128x16xf32, #tpu.memory_space<vmem>>) dst(%dma_wait3A_80 : memref<128x16xf32, #tpu.memory_space<vmem_shared>>)
      tpu.yield
    }) : () -> ()
    %mul3A_42 = arith.constant 640 : i32
    %mul3A_43 = arith.muli %arg1, %mul3A_42 : i32
    %add3A_44 = arith.constant 384 : i32
    %add3A_45 = arith.addi %mul3A_43, %add3A_44 : i32
    "tpu.region"() ({
      %run_scoped3A = tpu.sem_alloc : memref<!tpu.dma_semaphore, #tpu.memory_space<semaphore_mem>>
      %dma_start3A = arith.constant 0 : i32
      %dma_start3A_75 = tpu.memref_slice %arg7[%add3A_45, %dma_start3A] : memref<10240x128xf32, #tpu.memory_space<vmem_shared>> -> memref<128x128xf32, #tpu.memory_space<vmem_shared>>
      %dma_start3A_76 = arith.constant 0 : i32
      %dma_start3A_77 = tpu.memref_slice %arg7[%add3A_45, %dma_start3A_76] : memref<10240x128xf32, #tpu.memory_space<vmem_shared>> -> memref<128x128xf32, #tpu.memory_space<vmem_shared>>
      tpu.enqueue_dma source(%arg11 : memref<128x128xf32, #tpu.memory_space<vmem>>) target(%dma_start3A_77 : memref<128x128xf32, #tpu.memory_space<vmem_shared>>) target_semaphore(%run_scoped3A : memref<!tpu.dma_semaphore, #tpu.memory_space<semaphore_mem>>)
      %dma_wait3A = arith.constant 0 : i32
      %dma_wait3A_78 = tpu.memref_slice %arg7[%add3A_45, %dma_wait3A] : memref<10240x128xf32, #tpu.memory_space<vmem_shared>> -> memref<128x128xf32, #tpu.memory_space<vmem_shared>>
      %dma_wait3A_79 = arith.constant 0 : i32
      %dma_wait3A_80 = tpu.memref_slice %arg7[%add3A_45, %dma_wait3A_79] : memref<10240x128xf32, #tpu.memory_space<vmem_shared>> -> memref<128x128xf32, #tpu.memory_space<vmem_shared>>
      tpu.wait_dma2 semaphore(%run_scoped3A : memref<!tpu.dma_semaphore, #tpu.memory_space<semaphore_mem>>) src(%arg11 : memref<128x128xf32, #tpu.memory_space<vmem>>) dst(%dma_wait3A_80 : memref<128x128xf32, #tpu.memory_space<vmem_shared>>)
      tpu.yield
    }) : () -> ()
    %mul3A_46 = arith.constant 640 : i32
    %mul3A_47 = arith.muli %arg1, %mul3A_46 : i32
    %add3A_48 = arith.constant 384 : i32
    %add3A_49 = arith.addi %mul3A_47, %add3A_48 : i32
    "tpu.region"() ({
      %run_scoped3A = tpu.sem_alloc : memref<!tpu.dma_semaphore, #tpu.memory_space<semaphore_mem>>
      %dma_start3A = arith.constant 0 : i32
      %dma_start3A_75 = tpu.memref_slice %arg8[%add3A_49, %dma_start3A] : memref<10240x16xf32, #tpu.memory_space<vmem_shared>> -> memref<128x16xf32, #tpu.memory_space<vmem_shared>>
      %dma_start3A_76 = arith.constant 0 : i32
      %dma_start3A_77 = tpu.memref_slice %arg8[%add3A_49, %dma_start3A_76] : memref<10240x16xf32, #tpu.memory_space<vmem_shared>> -> memref<128x16xf32, #tpu.memory_space<vmem_shared>>
      tpu.enqueue_dma source(%arg12 : memref<128x16xf32, #tpu.memory_space<vmem>>) target(%dma_start3A_77 : memref<128x16xf32, #tpu.memory_space<vmem_shared>>) target_semaphore(%run_scoped3A : memref<!tpu.dma_semaphore, #tpu.memory_space<semaphore_mem>>)
      %dma_wait3A = arith.constant 0 : i32
      %dma_wait3A_78 = tpu.memref_slice %arg8[%add3A_49, %dma_wait3A] : memref<10240x16xf32, #tpu.memory_space<vmem_shared>> -> memref<128x16xf32, #tpu.memory_space<vmem_shared>>
      %dma_wait3A_79 = arith.constant 0 : i32
      %dma_wait3A_80 = tpu.memref_slice %arg8[%add3A_49, %dma_wait3A_79] : memref<10240x16xf32, #tpu.memory_space<vmem_shared>> -> memref<128x16xf32, #tpu.memory_space<vmem_shared>>
      tpu.wait_dma2 semaphore(%run_scoped3A : memref<!tpu.dma_semaphore, #tpu.memory_space<semaphore_mem>>) src(%arg12 : memref<128x16xf32, #tpu.memory_space<vmem>>) dst(%dma_wait3A_80 : memref<128x16xf32, #tpu.memory_space<vmem_shared>>)
      tpu.yield
    }) : () -> ()
    %mul3A_50 = arith.constant 640 : i32
    %mul3A_51 = arith.muli %arg1, %mul3A_50 : i32
    %add3A_52 = arith.constant 512 : i32
    %add3A_53 = arith.addi %mul3A_51, %add3A_52 : i32
    "tpu.region"() ({
      %run_scoped3A = tpu.sem_alloc : memref<!tpu.dma_semaphore, #tpu.memory_space<semaphore_mem>>
      %dma_start3A = arith.constant 0 : i32
      %dma_start3A_75 = tpu.memref_slice %arg7[%add3A_53, %dma_start3A] : memref<10240x128xf32, #tpu.memory_space<vmem_shared>> -> memref<128x128xf32, #tpu.memory_space<vmem_shared>>
      %dma_start3A_76 = arith.constant 0 : i32
      %dma_start3A_77 = tpu.memref_slice %arg7[%add3A_53, %dma_start3A_76] : memref<10240x128xf32, #tpu.memory_space<vmem_shared>> -> memref<128x128xf32, #tpu.memory_space<vmem_shared>>
      tpu.enqueue_dma source(%arg11 : memref<128x128xf32, #tpu.memory_space<vmem>>) target(%dma_start3A_77 : memref<128x128xf32, #tpu.memory_space<vmem_shared>>) target_semaphore(%run_scoped3A : memref<!tpu.dma_semaphore, #tpu.memory_space<semaphore_mem>>)
      %dma_wait3A = arith.constant 0 : i32
      %dma_wait3A_78 = tpu.memref_slice %arg7[%add3A_53, %dma_wait3A] : memref<10240x128xf32, #tpu.memory_space<vmem_shared>> -> memref<128x128xf32, #tpu.memory_space<vmem_shared>>
      %dma_wait3A_79 = arith.constant 0 : i32
      %dma_wait3A_80 = tpu.memref_slice %arg7[%add3A_53, %dma_wait3A_79] : memref<10240x128xf32, #tpu.memory_space<vmem_shared>> -> memref<128x128xf32, #tpu.memory_space<vmem_shared>>
      tpu.wait_dma2 semaphore(%run_scoped3A : memref<!tpu.dma_semaphore, #tpu.memory_space<semaphore_mem>>) src(%arg11 : memref<128x128xf32, #tpu.memory_space<vmem>>) dst(%dma_wait3A_80 : memref<128x128xf32, #tpu.memory_space<vmem_shared>>)
      tpu.yield
    }) : () -> ()
    %mul3A_54 = arith.constant 640 : i32
    %mul3A_55 = arith.muli %arg1, %mul3A_54 : i32
    %add3A_56 = arith.constant 512 : i32
    %add3A_57 = arith.addi %mul3A_55, %add3A_56 : i32
    "tpu.region"() ({
      %run_scoped3A = tpu.sem_alloc : memref<!tpu.dma_semaphore, #tpu.memory_space<semaphore_mem>>
      %dma_start3A = arith.constant 0 : i32
      %dma_start3A_75 = tpu.memref_slice %arg8[%add3A_57, %dma_start3A] : memref<10240x16xf32, #tpu.memory_space<vmem_shared>> -> memref<128x16xf32, #tpu.memory_space<vmem_shared>>
      %dma_start3A_76 = arith.constant 0 : i32
      %dma_start3A_77 = tpu.memref_slice %arg8[%add3A_57, %dma_start3A_76] : memref<10240x16xf32, #tpu.memory_space<vmem_shared>> -> memref<128x16xf32, #tpu.memory_space<vmem_shared>>
      tpu.enqueue_dma source(%arg12 : memref<128x16xf32, #tpu.memory_space<vmem>>) target(%dma_start3A_77 : memref<128x16xf32, #tpu.memory_space<vmem_shared>>) target_semaphore(%run_scoped3A : memref<!tpu.dma_semaphore, #tpu.memory_space<semaphore_mem>>)
      %dma_wait3A = arith.constant 0 : i32
      %dma_wait3A_78 = tpu.memref_slice %arg8[%add3A_57, %dma_wait3A] : memref<10240x16xf32, #tpu.memory_space<vmem_shared>> -> memref<128x16xf32, #tpu.memory_space<vmem_shared>>
      %dma_wait3A_79 = arith.constant 0 : i32
      %dma_wait3A_80 = tpu.memref_slice %arg8[%add3A_57, %dma_wait3A_79] : memref<10240x16xf32, #tpu.memory_space<vmem_shared>> -> memref<128x16xf32, #tpu.memory_space<vmem_shared>>
      tpu.wait_dma2 semaphore(%run_scoped3A : memref<!tpu.dma_semaphore, #tpu.memory_space<semaphore_mem>>) src(%arg12 : memref<128x16xf32, #tpu.memory_space<vmem>>) dst(%dma_wait3A_80 : memref<128x16xf32, #tpu.memory_space<vmem_shared>>)
      tpu.yield
    }) : () -> ()
    %barrier3A = arith.constant 0 : index
    tpu.barrier barrier_id(%barrier3A)
    %mul3A_58 = arith.constant 10112 : i32
    %mul3A_59 = arith.muli %add3A, %mul3A_58 : i32
    %scan3A_60 = arith.constant 0 : i32
    %scan3A_61 = arith.constant 0 : i32
    %scan3A_62 = arith.constant 79 : i32
    %scan3A_63 = arith.addi %scan3A_61, %scan3A_62 : i32
    %scan3A_64 = arith.constant 1 : i32
    scf.for %scan3A_75 = %scan3A_61 to %scan3A_63 step %scan3A_64  : i32 {
      %mul3A_76 = arith.constant 128 : i32
      %mul3A_77 = arith.muli %scan3A_75, %mul3A_76 : i32
      %add3A_78 = arith.addi %mul3A_59, %mul3A_77 : i32
      %run_scoped3A = arith.constant 0 : i32
      "tpu.region"() ({
        %run_scoped3A_94 = tpu.sem_alloc : memref<!tpu.dma_semaphore, #tpu.memory_space<semaphore_mem>>
        %dma_start3A_95 = arith.constant 0 : i32
        %dma_start3A_96 = tpu.memref_slice %arg9[%run_scoped3A, %dma_start3A_95] : memref<1x128xi32, #tpu.memory_space<vmem>> -> memref<1x128xi32, #tpu.memory_space<vmem>>
        %dma_start3A_97 = tpu.memref_squeeze %dma_start3A_96 : memref<1x128xi32, #tpu.memory_space<vmem>> -> memref<128xi32, #tpu.memory_space<vmem>>
        %dma_start3A_98 = tpu.memref_slice %arg3[%add3A_78] : memref<323584xi32, #tpu.memory_space<hbm>> -> memref<128xi32, #tpu.memory_space<hbm>>
        %dma_start3A_99 = arith.constant 0 : i32
        %dma_start3A_100 = tpu.memref_slice %arg9[%run_scoped3A, %dma_start3A_99] : memref<1x128xi32, #tpu.memory_space<vmem>> -> memref<1x128xi32, #tpu.memory_space<vmem>>
        %dma_start3A_101 = tpu.memref_squeeze %dma_start3A_100 : memref<1x128xi32, #tpu.memory_space<vmem>> -> memref<128xi32, #tpu.memory_space<vmem>>
        %dma_start3A_102 = tpu.memref_slice %arg3[%add3A_78] : memref<323584xi32, #tpu.memory_space<hbm>> -> memref<128xi32, #tpu.memory_space<hbm>>
        tpu.enqueue_dma source(%dma_start3A_102 : memref<128xi32, #tpu.memory_space<hbm>>) target(%dma_start3A_101 : memref<128xi32, #tpu.memory_space<vmem>>) target_semaphore(%run_scoped3A_94 : memref<!tpu.dma_semaphore, #tpu.memory_space<semaphore_mem>>)
        %dma_wait3A_103 = arith.constant 0 : i32
        %dma_wait3A_104 = tpu.memref_slice %arg9[%run_scoped3A, %dma_wait3A_103] : memref<1x128xi32, #tpu.memory_space<vmem>> -> memref<1x128xi32, #tpu.memory_space<vmem>>
        %dma_wait3A_105 = tpu.memref_squeeze %dma_wait3A_104 : memref<1x128xi32, #tpu.memory_space<vmem>> -> memref<128xi32, #tpu.memory_space<vmem>>
        %dma_wait3A_106 = tpu.memref_slice %arg3[%add3A_78] : memref<323584xi32, #tpu.memory_space<hbm>> -> memref<128xi32, #tpu.memory_space<hbm>>
        %dma_wait3A_107 = arith.constant 0 : i32
        %dma_wait3A_108 = tpu.memref_slice %arg9[%run_scoped3A, %dma_wait3A_107] : memref<1x128xi32, #tpu.memory_space<vmem>> -> memref<1x128xi32, #tpu.memory_space<vmem>>
        %dma_wait3A_109 = tpu.memref_squeeze %dma_wait3A_108 : memref<1x128xi32, #tpu.memory_space<vmem>> -> memref<128xi32, #tpu.memory_space<vmem>>
        %dma_wait3A_110 = tpu.memref_slice %arg3[%add3A_78] : memref<323584xi32, #tpu.memory_space<hbm>> -> memref<128xi32, #tpu.memory_space<hbm>>
        tpu.wait_dma2 semaphore(%run_scoped3A_94 : memref<!tpu.dma_semaphore, #tpu.memory_space<semaphore_mem>>) src(%dma_wait3A_110 : memref<128xi32, #tpu.memory_space<hbm>>) dst(%dma_wait3A_109 : memref<128xi32, #tpu.memory_space<vmem>>)
        tpu.yield
      }) : () -> ()
      %run_scoped3A_79 = arith.constant 0 : i32
      "tpu.region"() ({
        %run_scoped3A_94 = tpu.sem_alloc : memref<!tpu.dma_semaphore, #tpu.memory_space<semaphore_mem>>
        %dma_start3A_95 = arith.constant 0 : i32
        %dma_start3A_96 = tpu.memref_slice %arg10[%run_scoped3A_79, %dma_start3A_95] : memref<1x128xi32, #tpu.memory_space<vmem>> -> memref<1x128xi32, #tpu.memory_space<vmem>>
        %dma_start3A_97 = tpu.memref_squeeze %dma_start3A_96 : memref<1x128xi32, #tpu.memory_space<vmem>> -> memref<128xi32, #tpu.memory_space<vmem>>
        %dma_start3A_98 = tpu.memref_slice %arg4[%add3A_78] : memref<323584xi32, #tpu.memory_space<hbm>> -> memref<128xi32, #tpu.memory_space<hbm>>
        %dma_start3A_99 = arith.constant 0 : i32
        %dma_start3A_100 = tpu.memref_slice %arg10[%run_scoped3A_79, %dma_start3A_99] : memref<1x128xi32, #tpu.memory_space<vmem>> -> memref<1x128xi32, #tpu.memory_space<vmem>>
        %dma_start3A_101 = tpu.memref_squeeze %dma_start3A_100 : memref<1x128xi32, #tpu.memory_space<vmem>> -> memref<128xi32, #tpu.memory_space<vmem>>
        %dma_start3A_102 = tpu.memref_slice %arg4[%add3A_78] : memref<323584xi32, #tpu.memory_space<hbm>> -> memref<128xi32, #tpu.memory_space<hbm>>
        tpu.enqueue_dma source(%dma_start3A_102 : memref<128xi32, #tpu.memory_space<hbm>>) target(%dma_start3A_101 : memref<128xi32, #tpu.memory_space<vmem>>) target_semaphore(%run_scoped3A_94 : memref<!tpu.dma_semaphore, #tpu.memory_space<semaphore_mem>>)
        %dma_wait3A_103 = arith.constant 0 : i32
        %dma_wait3A_104 = tpu.memref_slice %arg10[%run_scoped3A_79, %dma_wait3A_103] : memref<1x128xi32, #tpu.memory_space<vmem>> -> memref<1x128xi32, #tpu.memory_space<vmem>>
        %dma_wait3A_105 = tpu.memref_squeeze %dma_wait3A_104 : memref<1x128xi32, #tpu.memory_space<vmem>> -> memref<128xi32, #tpu.memory_space<vmem>>
        %dma_wait3A_106 = tpu.memref_slice %arg4[%add3A_78] : memref<323584xi32, #tpu.memory_space<hbm>> -> memref<128xi32, #tpu.memory_space<hbm>>
        %dma_wait3A_107 = arith.constant 0 : i32
        %dma_wait3A_108 = tpu.memref_slice %arg10[%run_scoped3A_79, %dma_wait3A_107] : memref<1x128xi32, #tpu.memory_space<vmem>> -> memref<1x128xi32, #tpu.memory_space<vmem>>
        %dma_wait3A_109 = tpu.memref_squeeze %dma_wait3A_108 : memref<1x128xi32, #tpu.memory_space<vmem>> -> memref<128xi32, #tpu.memory_space<vmem>>
        %dma_wait3A_110 = tpu.memref_slice %arg4[%add3A_78] : memref<323584xi32, #tpu.memory_space<hbm>> -> memref<128xi32, #tpu.memory_space<hbm>>
        tpu.wait_dma2 semaphore(%run_scoped3A_94 : memref<!tpu.dma_semaphore, #tpu.memory_space<semaphore_mem>>) src(%dma_wait3A_110 : memref<128xi32, #tpu.memory_space<hbm>>) dst(%dma_wait3A_109 : memref<128xi32, #tpu.memory_space<vmem>>)
        tpu.yield
      }) : () -> ()
      %dma_start3A = arith.constant 0 : i32
      %dma_start3A_80 = arith.constant 0 : i32
      %dma_start3A_81 = tpu.memref_slice %arg9[%dma_start3A, %dma_start3A_80] : memref<1x128xi32, #tpu.memory_space<vmem>> -> memref<1x128xi32, #tpu.memory_space<vmem>>
      %dma_start3A_82 = tpu.memref_squeeze %dma_start3A_81 : memref<1x128xi32, #tpu.memory_space<vmem>> -> memref<128xi32, #tpu.memory_space<vmem>>
      %dma_start3A_83 = arith.constant 0 : i32
      %dma_start3A_84 = arith.constant 0 : i32
      %dma_start3A_85 = tpu.memref_slice %arg2[%dma_start3A_83, %dma_start3A_84] : memref<10240x128xf32, #tpu.memory_space<hbm>> -> memref<10240x128xf32, #tpu.memory_space<hbm>>
      tpu.enqueue_indirect_dma source(%dma_start3A_85 : memref<10240x128xf32, #tpu.memory_space<hbm>>) target(%arg11 : memref<128x128xf32, #tpu.memory_space<vmem>>) offsets(%dma_start3A_82 : memref<128xi32, #tpu.memory_space<vmem>>) semaphore(%arg14 : memref<!tpu.dma_semaphore, #tpu.memory_space<semaphore_mem>>)
      %dma_wait3A = arith.constant 0 : i32
      %dma_wait3A_86 = arith.constant 0 : i32
      %dma_wait3A_87 = tpu.memref_slice %arg9[%dma_wait3A, %dma_wait3A_86] : memref<1x128xi32, #tpu.memory_space<vmem>> -> memref<1x128xi32, #tpu.memory_space<vmem>>
      %dma_wait3A_88 = tpu.memref_squeeze %dma_wait3A_87 : memref<1x128xi32, #tpu.memory_space<vmem>> -> memref<128xi32, #tpu.memory_space<vmem>>
      %dma_wait3A_89 = arith.constant 0 : i32
      %dma_wait3A_90 = arith.constant 0 : i32
      %dma_wait3A_91 = tpu.memref_slice %arg2[%dma_wait3A_89, %dma_wait3A_90] : memref<10240x128xf32, #tpu.memory_space<hbm>> -> memref<10240x128xf32, #tpu.memory_space<hbm>>
      tpu.wait_indirect_dma semaphore(%arg14 : memref<!tpu.dma_semaphore, #tpu.memory_space<semaphore_mem>>) src(%dma_wait3A_91 : memref<10240x128xf32, #tpu.memory_space<hbm>>) dst(%arg11 : memref<128x128xf32, #tpu.memory_space<vmem>>)
      %run_scoped3A_92 = arith.constant 0 : i32
      "tpu.region"() ({
        %run_scoped3A_94 = tpu.sem_alloc : memref<!tpu.dma_semaphore, #tpu.memory_space<semaphore_mem>>
        %dma_start3A_95 = arith.constant 0 : i32
        %dma_start3A_96 = tpu.memref_slice %arg10[%run_scoped3A_92, %dma_start3A_95] : memref<1x128xi32, #tpu.memory_space<vmem>> -> memref<1x128xi32, #tpu.memory_space<vmem>>
        %dma_start3A_97 = tpu.memref_squeeze %dma_start3A_96 : memref<1x128xi32, #tpu.memory_space<vmem>> -> memref<128xi32, #tpu.memory_space<vmem>>
        %dma_start3A_98 = arith.constant 0 : i32
        %dma_start3A_99 = arith.constant 0 : i32
        %dma_start3A_100 = tpu.memref_slice %arg7[%dma_start3A_98, %dma_start3A_99] : memref<10240x128xf32, #tpu.memory_space<vmem_shared>> -> memref<10240x128xf32, #tpu.memory_space<vmem_shared>>
        tpu.enqueue_indirect_dma source(%arg11 : memref<128x128xf32, #tpu.memory_space<vmem>>) target(%dma_start3A_100 : memref<10240x128xf32, #tpu.memory_space<vmem_shared>>) offsets(%dma_start3A_97 : memref<128xi32, #tpu.memory_space<vmem>>) semaphore(%run_scoped3A_94 : memref<!tpu.dma_semaphore, #tpu.memory_space<semaphore_mem>>) {add = true}
        %dma_wait3A_101 = arith.constant 0 : i32
        %dma_wait3A_102 = tpu.memref_slice %arg10[%run_scoped3A_92, %dma_wait3A_101] : memref<1x128xi32, #tpu.memory_space<vmem>> -> memref<1x128xi32, #tpu.memory_space<vmem>>
        %dma_wait3A_103 = tpu.memref_squeeze %dma_wait3A_102 : memref<1x128xi32, #tpu.memory_space<vmem>> -> memref<128xi32, #tpu.memory_space<vmem>>
        %dma_wait3A_104 = arith.constant 0 : i32
        %dma_wait3A_105 = arith.constant 0 : i32
        %dma_wait3A_106 = tpu.memref_slice %arg7[%dma_wait3A_104, %dma_wait3A_105] : memref<10240x128xf32, #tpu.memory_space<vmem_shared>> -> memref<10240x128xf32, #tpu.memory_space<vmem_shared>>
        tpu.wait_indirect_dma semaphore(%run_scoped3A_94 : memref<!tpu.dma_semaphore, #tpu.memory_space<semaphore_mem>>) src(%arg11 : memref<128x128xf32, #tpu.memory_space<vmem>>) dst(%dma_wait3A_106 : memref<10240x128xf32, #tpu.memory_space<vmem_shared>>)
        tpu.yield
      }) : () -> ()
      %run_scoped3A_93 = arith.constant 0 : i32
      "tpu.region"() ({
        %run_scoped3A_94 = tpu.sem_alloc : memref<!tpu.dma_semaphore, #tpu.memory_space<semaphore_mem>>
        %dma_start3A_95 = arith.constant 0 : i32
        %dma_start3A_96 = tpu.memref_slice %arg10[%run_scoped3A_93, %dma_start3A_95] : memref<1x128xi32, #tpu.memory_space<vmem>> -> memref<1x128xi32, #tpu.memory_space<vmem>>
        %dma_start3A_97 = tpu.memref_squeeze %dma_start3A_96 : memref<1x128xi32, #tpu.memory_space<vmem>> -> memref<128xi32, #tpu.memory_space<vmem>>
        %dma_start3A_98 = arith.constant 0 : i32
        %dma_start3A_99 = arith.constant 0 : i32
        %dma_start3A_100 = tpu.memref_slice %arg8[%dma_start3A_98, %dma_start3A_99] : memref<10240x16xf32, #tpu.memory_space<vmem_shared>> -> memref<10240x16xf32, #tpu.memory_space<vmem_shared>>
        tpu.enqueue_indirect_dma source(%arg13 : memref<128x16xf32, #tpu.memory_space<vmem>>) target(%dma_start3A_100 : memref<10240x16xf32, #tpu.memory_space<vmem_shared>>) offsets(%dma_start3A_97 : memref<128xi32, #tpu.memory_space<vmem>>) semaphore(%run_scoped3A_94 : memref<!tpu.dma_semaphore, #tpu.memory_space<semaphore_mem>>) {add = true}
        %dma_wait3A_101 = arith.constant 0 : i32
        %dma_wait3A_102 = tpu.memref_slice %arg10[%run_scoped3A_93, %dma_wait3A_101] : memref<1x128xi32, #tpu.memory_space<vmem>> -> memref<1x128xi32, #tpu.memory_space<vmem>>
        %dma_wait3A_103 = tpu.memref_squeeze %dma_wait3A_102 : memref<1x128xi32, #tpu.memory_space<vmem>> -> memref<128xi32, #tpu.memory_space<vmem>>
        %dma_wait3A_104 = arith.constant 0 : i32
        %dma_wait3A_105 = arith.constant 0 : i32
        %dma_wait3A_106 = tpu.memref_slice %arg8[%dma_wait3A_104, %dma_wait3A_105] : memref<10240x16xf32, #tpu.memory_space<vmem_shared>> -> memref<10240x16xf32, #tpu.memory_space<vmem_shared>>
        tpu.wait_indirect_dma semaphore(%run_scoped3A_94 : memref<!tpu.dma_semaphore, #tpu.memory_space<semaphore_mem>>) src(%arg13 : memref<128x16xf32, #tpu.memory_space<vmem>>) dst(%dma_wait3A_106 : memref<10240x16xf32, #tpu.memory_space<vmem_shared>>)
        tpu.yield
      }) : () -> ()
    }
    %scan3A_65 = arith.constant 79 : i32
    %barrier3A_66 = arith.constant 0 : index
    tpu.barrier barrier_id(%barrier3A_66)
    %mul3A_67 = arith.constant 640 : i32
    %mul3A_68 = arith.muli %arg1, %mul3A_67 : i32
    %mul3A_69 = arith.constant 640 : i32
    %mul3A_70 = arith.muli %arg1, %mul3A_69 : i32
    "tpu.region"() ({
      %run_scoped3A = tpu.sem_alloc : memref<!tpu.dma_semaphore, #tpu.memory_space<semaphore_mem>>
      %dma_start3A = arith.constant 0 : i32
      %dma_start3A_75 = tpu.memref_slice %arg5[%arg0, %mul3A_70, %dma_start3A] : memref<2x10240x128xf32, #tpu.memory_space<hbm>> -> memref<1x640x128xf32, #tpu.memory_space<hbm>>
      %dma_start3A_76 = tpu.memref_squeeze %dma_start3A_75 : memref<1x640x128xf32, #tpu.memory_space<hbm>> -> memref<640x128xf32, #tpu.memory_space<hbm>>
      %dma_start3A_77 = arith.constant 0 : i32
      %dma_start3A_78 = tpu.memref_slice %arg7[%mul3A_68, %dma_start3A_77] : memref<10240x128xf32, #tpu.memory_space<vmem_shared>> -> memref<640x128xf32, #tpu.memory_space<vmem_shared>>
      tpu.enqueue_dma source(%dma_start3A_78 : memref<640x128xf32, #tpu.memory_space<vmem_shared>>) target(%dma_start3A_76 : memref<640x128xf32, #tpu.memory_space<hbm>>) target_semaphore(%run_scoped3A : memref<!tpu.dma_semaphore, #tpu.memory_space<semaphore_mem>>)
      %dma_wait3A = arith.constant 0 : i32
      %dma_wait3A_79 = tpu.memref_slice %arg5[%arg0, %mul3A_70, %dma_wait3A] : memref<2x10240x128xf32, #tpu.memory_space<hbm>> -> memref<1x640x128xf32, #tpu.memory_space<hbm>>
      %dma_wait3A_80 = tpu.memref_squeeze %dma_wait3A_79 : memref<1x640x128xf32, #tpu.memory_space<hbm>> -> memref<640x128xf32, #tpu.memory_space<hbm>>
      %dma_wait3A_81 = arith.constant 0 : i32
      %dma_wait3A_82 = tpu.memref_slice %arg7[%mul3A_68, %dma_wait3A_81] : memref<10240x128xf32, #tpu.memory_space<vmem_shared>> -> memref<640x128xf32, #tpu.memory_space<vmem_shared>>
      tpu.wait_dma2 semaphore(%run_scoped3A : memref<!tpu.dma_semaphore, #tpu.memory_space<semaphore_mem>>) src(%dma_wait3A_82 : memref<640x128xf32, #tpu.memory_space<vmem_shared>>) dst(%dma_wait3A_80 : memref<640x128xf32, #tpu.memory_space<hbm>>)
      tpu.yield
    }) : () -> ()
    %mul3A_71 = arith.constant 640 : i32
    %mul3A_72 = arith.muli %arg1, %mul3A_71 : i32
    %mul3A_73 = arith.constant 640 : i32
    %mul3A_74 = arith.muli %arg1, %mul3A_73 : i32
    "tpu.region"() ({
      %run_scoped3A = tpu.sem_alloc : memref<!tpu.dma_semaphore, #tpu.memory_space<semaphore_mem>>
      %dma_start3A = arith.constant 0 : i32
      %dma_start3A_75 = tpu.memref_slice %arg6[%arg0, %mul3A_74, %dma_start3A] : memref<2x10240x16xf32, #tpu.memory_space<hbm>> -> memref<1x640x16xf32, #tpu.memory_space<hbm>>
      %dma_start3A_76 = tpu.memref_squeeze %dma_start3A_75 : memref<1x640x16xf32, #tpu.memory_space<hbm>> -> memref<640x16xf32, #tpu.memory_space<hbm>>
      %dma_start3A_77 = arith.constant 0 : i32
      %dma_start3A_78 = tpu.memref_slice %arg8[%mul3A_72, %dma_start3A_77] : memref<10240x16xf32, #tpu.memory_space<vmem_shared>> -> memref<640x16xf32, #tpu.memory_space<vmem_shared>>
      tpu.enqueue_dma source(%dma_start3A_78 : memref<640x16xf32, #tpu.memory_space<vmem_shared>>) target(%dma_start3A_76 : memref<640x16xf32, #tpu.memory_space<hbm>>) target_semaphore(%run_scoped3A : memref<!tpu.dma_semaphore, #tpu.memory_space<semaphore_mem>>)
      %dma_wait3A = arith.constant 0 : i32
      %dma_wait3A_79 = tpu.memref_slice %arg6[%arg0, %mul3A_74, %dma_wait3A] : memref<2x10240x16xf32, #tpu.memory_space<hbm>> -> memref<1x640x16xf32, #tpu.memory_space<hbm>>
      %dma_wait3A_80 = tpu.memref_squeeze %dma_wait3A_79 : memref<1x640x16xf32, #tpu.memory_space<hbm>> -> memref<640x16xf32, #tpu.memory_space<hbm>>
      %dma_wait3A_81 = arith.constant 0 : i32
      %dma_wait3A_82 = tpu.memref_slice %arg8[%mul3A_72, %dma_wait3A_81] : memref<10240x16xf32, #tpu.memory_space<vmem_shared>> -> memref<640x16xf32, #tpu.memory_space<vmem_shared>>
      tpu.wait_dma2 semaphore(%run_scoped3A : memref<!tpu.dma_semaphore, #tpu.memory_space<semaphore_mem>>) src(%dma_wait3A_82 : memref<640x16xf32, #tpu.memory_space<vmem_shared>>) dst(%dma_wait3A_80 : memref<640x16xf32, #tpu.memory_space<hbm>>)
      tpu.yield
    }) : () -> ()
    return
  }
}

#map = affine_map<(d0, d1) -> (0, 0)>
#map1 = affine_map<(d0, d1) -> (0)>
#map2 = affine_map<(d0, d1) -> (0, 0, 0)>
module attributes {stable_mosaic.version = 14 : i64} {
  func.func @_gat_sc(%arg0: i32, %arg1: i32, %arg2: memref<10240x128xf32, #tpu.memory_space<hbm>>, %arg3: memref<10240xf32, #tpu.memory_space<hbm>>, %arg4: memref<10240xf32, #tpu.memory_space<hbm>>, %arg5: memref<128xf32, #tpu.memory_space<hbm>>, %arg6: memref<331776xi32, #tpu.memory_space<hbm>>, %arg7: memref<331776xi32, #tpu.memory_space<hbm>>, %arg8: memref<2x10240x128xf32, #tpu.memory_space<hbm>>, %arg9: memref<2x10240x16xf32, #tpu.memory_space<hbm>>, %arg10: memref<10240x128xf32, #tpu.memory_space<vmem_shared>>, %arg11: memref<10240x16xf32, #tpu.memory_space<vmem_shared>>, %arg12: memref<1x128xi32, #tpu.memory_space<vmem>>, %arg13: memref<1x128xi32, #tpu.memory_space<vmem>>, %arg14: memref<128xf32, #tpu.memory_space<vmem>>, %arg15: memref<128xf32, #tpu.memory_space<vmem>>, %arg16: memref<128xf32, #tpu.memory_space<vmem>>, %arg17: memref<128x16xf32, #tpu.memory_space<vmem>>, %arg18: memref<128x128xf32, #tpu.memory_space<vmem>>, %arg19: memref<128x16xf32, #tpu.memory_space<vmem>>, %arg20: memref<16xf32, #tpu.memory_space<vmem>>, %arg21: memref<!tpu.dma_semaphore, #tpu.memory_space<semaphore_mem>>) attributes {dimension_semantics = [#tpu.dimension_semantics<core_parallel>, #tpu.dimension_semantics<subcore_parallel>], iteration_bounds = array<i64: 2, 16>, scalar_prefetch = 0 : i64, scratch_operands = 12 : i64, tpu.core_type = #tpu.core_type<sc_vector_subcore>, window_params = [{transform_indices = #map}, {transform_indices = #map1}, {transform_indices = #map1}, {transform_indices = #map1}, {transform_indices = #map1}, {transform_indices = #map1}, {transform_indices = #map2}, {transform_indices = #map2}]} {
    %mul3A = arith.constant 16 : i32
    %mul3A_0 = arith.muli %arg0, %mul3A : i32
    %add3A = arith.addi %mul3A_0, %arg1 : i32
    %scan3A = arith.constant 0 : i32
    %scan3A_1 = arith.constant 0 : i32
    %scan3A_2 = arith.constant 128 : i32
    %scan3A_3 = arith.addi %scan3A_1, %scan3A_2 : i32
    %scan3A_4 = arith.constant 1 : i32
    scf.for %scan3A_70 = %scan3A_1 to %scan3A_3 step %scan3A_4  : i32 {
      %broadcast_in_dim3A = arith.constant 0.000000e+00 : f32
      %broadcast_in_dim3A_71 = vector.broadcast %broadcast_in_dim3A : f32 to vector<16xf32>
      %swap3A = arith.index_cast %scan3A_70 : i32 to index
      %swap3A_72 = arith.constant 0 : index
      %swap3A_73 = tpu.vector_load %arg18[%swap3A, %swap3A_72] {strides = array<i32>} : memref<128x128xf32, #tpu.memory_space<vmem>>, vector<16xf32>,
      tpu.vector_store %arg18[%swap3A, %swap3A_72], %broadcast_in_dim3A_71 {strides = array<i32>} : memref<128x128xf32, #tpu.memory_space<vmem>>, vector<16xf32>,
      %broadcast_in_dim3A_74 = arith.constant 0.000000e+00 : f32
      %broadcast_in_dim3A_75 = vector.broadcast %broadcast_in_dim3A_74 : f32 to vector<16xf32>
      %swap3A_76 = arith.index_cast %scan3A_70 : i32 to index
      %swap3A_77 = arith.constant 16 : index
      %swap3A_78 = tpu.vector_load %arg18[%swap3A_76, %swap3A_77] {strides = array<i32>} : memref<128x128xf32, #tpu.memory_space<vmem>>, vector<16xf32>,
      tpu.vector_store %arg18[%swap3A_76, %swap3A_77], %broadcast_in_dim3A_75 {strides = array<i32>} : memref<128x128xf32, #tpu.memory_space<vmem>>, vector<16xf32>,
      %broadcast_in_dim3A_79 = arith.constant 0.000000e+00 : f32
      %broadcast_in_dim3A_80 = vector.broadcast %broadcast_in_dim3A_79 : f32 to vector<16xf32>
      %swap3A_81 = arith.index_cast %scan3A_70 : i32 to index
      %swap3A_82 = arith.constant 32 : index
      %swap3A_83 = tpu.vector_load %arg18[%swap3A_81, %swap3A_82] {strides = array<i32>} : memref<128x128xf32, #tpu.memory_space<vmem>>, vector<16xf32>,
      tpu.vector_store %arg18[%swap3A_81, %swap3A_82], %broadcast_in_dim3A_80 {strides = array<i32>} : memref<128x128xf32, #tpu.memory_space<vmem>>, vector<16xf32>,
      %broadcast_in_dim3A_84 = arith.constant 0.000000e+00 : f32
      %broadcast_in_dim3A_85 = vector.broadcast %broadcast_in_dim3A_84 : f32 to vector<16xf32>
      %swap3A_86 = arith.index_cast %scan3A_70 : i32 to index
      %swap3A_87 = arith.constant 48 : index
      %swap3A_88 = tpu.vector_load %arg18[%swap3A_86, %swap3A_87] {strides = array<i32>} : memref<128x128xf32, #tpu.memory_space<vmem>>, vector<16xf32>,
      tpu.vector_store %arg18[%swap3A_86, %swap3A_87], %broadcast_in_dim3A_85 {strides = array<i32>} : memref<128x128xf32, #tpu.memory_space<vmem>>, vector<16xf32>,
      %broadcast_in_dim3A_89 = arith.constant 0.000000e+00 : f32
      %broadcast_in_dim3A_90 = vector.broadcast %broadcast_in_dim3A_89 : f32 to vector<16xf32>
      %swap3A_91 = arith.index_cast %scan3A_70 : i32 to index
      %swap3A_92 = arith.constant 64 : index
      %swap3A_93 = tpu.vector_load %arg18[%swap3A_91, %swap3A_92] {strides = array<i32>} : memref<128x128xf32, #tpu.memory_space<vmem>>, vector<16xf32>,
      tpu.vector_store %arg18[%swap3A_91, %swap3A_92], %broadcast_in_dim3A_90 {strides = array<i32>} : memref<128x128xf32, #tpu.memory_space<vmem>>, vector<16xf32>,
      %broadcast_in_dim3A_94 = arith.constant 0.000000e+00 : f32
      %broadcast_in_dim3A_95 = vector.broadcast %broadcast_in_dim3A_94 : f32 to vector<16xf32>
      %swap3A_96 = arith.index_cast %scan3A_70 : i32 to index
      %swap3A_97 = arith.constant 80 : index
      %swap3A_98 = tpu.vector_load %arg18[%swap3A_96, %swap3A_97] {strides = array<i32>} : memref<128x128xf32, #tpu.memory_space<vmem>>, vector<16xf32>,
      tpu.vector_store %arg18[%swap3A_96, %swap3A_97], %broadcast_in_dim3A_95 {strides = array<i32>} : memref<128x128xf32, #tpu.memory_space<vmem>>, vector<16xf32>,
      %broadcast_in_dim3A_99 = arith.constant 0.000000e+00 : f32
      %broadcast_in_dim3A_100 = vector.broadcast %broadcast_in_dim3A_99 : f32 to vector<16xf32>
      %swap3A_101 = arith.index_cast %scan3A_70 : i32 to index
      %swap3A_102 = arith.constant 96 : index
      %swap3A_103 = tpu.vector_load %arg18[%swap3A_101, %swap3A_102] {strides = array<i32>} : memref<128x128xf32, #tpu.memory_space<vmem>>, vector<16xf32>,
      tpu.vector_store %arg18[%swap3A_101, %swap3A_102], %broadcast_in_dim3A_100 {strides = array<i32>} : memref<128x128xf32, #tpu.memory_space<vmem>>, vector<16xf32>,
      %broadcast_in_dim3A_104 = arith.constant 0.000000e+00 : f32
      %broadcast_in_dim3A_105 = vector.broadcast %broadcast_in_dim3A_104 : f32 to vector<16xf32>
      %swap3A_106 = arith.index_cast %scan3A_70 : i32 to index
      %swap3A_107 = arith.constant 112 : index
      %swap3A_108 = tpu.vector_load %arg18[%swap3A_106, %swap3A_107] {strides = array<i32>} : memref<128x128xf32, #tpu.memory_space<vmem>>, vector<16xf32>,
      tpu.vector_store %arg18[%swap3A_106, %swap3A_107], %broadcast_in_dim3A_105 {strides = array<i32>} : memref<128x128xf32, #tpu.memory_space<vmem>>, vector<16xf32>,
    }
    %scan3A_5 = arith.constant 128 : i32
    %scan3A_6 = arith.constant 0 : i32
    %scan3A_7 = arith.constant 0 : i32
    %scan3A_8 = arith.constant 128 : i32
    %scan3A_9 = arith.addi %scan3A_7, %scan3A_8 : i32
    %scan3A_10 = arith.constant 1 : i32
    scf.for %scan3A_70 = %scan3A_7 to %scan3A_9 step %scan3A_10  : i32 {
      %broadcast_in_dim3A = arith.constant 0.000000e+00 : f32
      %broadcast_in_dim3A_71 = vector.broadcast %broadcast_in_dim3A : f32 to vector<16xf32>
      %swap3A = arith.index_cast %scan3A_70 : i32 to index
      %swap3A_72 = arith.constant 0 : index
      %swap3A_73 = tpu.vector_load %arg19[%swap3A, %swap3A_72] {strides = array<i32>} : memref<128x16xf32, #tpu.memory_space<vmem>>, vector<16xf32>,
      tpu.vector_store %arg19[%swap3A, %swap3A_72], %broadcast_in_dim3A_71 {strides = array<i32>} : memref<128x16xf32, #tpu.memory_space<vmem>>, vector<16xf32>,
    }
    %scan3A_11 = arith.constant 128 : i32
    %mul3A_12 = arith.constant 640 : i32
    %mul3A_13 = arith.muli %arg1, %mul3A_12 : i32
    %add3A_14 = arith.constant 0 : i32
    %add3A_15 = arith.addi %mul3A_13, %add3A_14 : i32
    "tpu.region"() ({
      %run_scoped3A = tpu.sem_alloc : memref<!tpu.dma_semaphore, #tpu.memory_space<semaphore_mem>>
      %dma_start3A = arith.constant 0 : i32
      %dma_start3A_70 = tpu.memref_slice %arg10[%add3A_15, %dma_start3A] : memref<10240x128xf32, #tpu.memory_space<vmem_shared>> -> memref<128x128xf32, #tpu.memory_space<vmem_shared>>
      %dma_start3A_71 = arith.constant 0 : i32
      %dma_start3A_72 = tpu.memref_slice %arg10[%add3A_15, %dma_start3A_71] : memref<10240x128xf32, #tpu.memory_space<vmem_shared>> -> memref<128x128xf32, #tpu.memory_space<vmem_shared>>
      tpu.enqueue_dma source(%arg18 : memref<128x128xf32, #tpu.memory_space<vmem>>) target(%dma_start3A_72 : memref<128x128xf32, #tpu.memory_space<vmem_shared>>) target_semaphore(%run_scoped3A : memref<!tpu.dma_semaphore, #tpu.memory_space<semaphore_mem>>)
      %dma_wait3A = arith.constant 0 : i32
      %dma_wait3A_73 = tpu.memref_slice %arg10[%add3A_15, %dma_wait3A] : memref<10240x128xf32, #tpu.memory_space<vmem_shared>> -> memref<128x128xf32, #tpu.memory_space<vmem_shared>>
      %dma_wait3A_74 = arith.constant 0 : i32
      %dma_wait3A_75 = tpu.memref_slice %arg10[%add3A_15, %dma_wait3A_74] : memref<10240x128xf32, #tpu.memory_space<vmem_shared>> -> memref<128x128xf32, #tpu.memory_space<vmem_shared>>
      tpu.wait_dma2 semaphore(%run_scoped3A : memref<!tpu.dma_semaphore, #tpu.memory_space<semaphore_mem>>) src(%arg18 : memref<128x128xf32, #tpu.memory_space<vmem>>) dst(%dma_wait3A_75 : memref<128x128xf32, #tpu.memory_space<vmem_shared>>)
      tpu.yield
    }) : () -> ()
    %mul3A_16 = arith.constant 640 : i32
    %mul3A_17 = arith.muli %arg1, %mul3A_16 : i32
    %add3A_18 = arith.constant 0 : i32
    %add3A_19 = arith.addi %mul3A_17, %add3A_18 : i32
    "tpu.region"() ({
      %run_scoped3A = tpu.sem_alloc : memref<!tpu.dma_semaphore, #tpu.memory_space<semaphore_mem>>
      %dma_start3A = arith.constant 0 : i32
      %dma_start3A_70 = tpu.memref_slice %arg11[%add3A_19, %dma_start3A] : memref<10240x16xf32, #tpu.memory_space<vmem_shared>> -> memref<128x16xf32, #tpu.memory_space<vmem_shared>>
      %dma_start3A_71 = arith.constant 0 : i32
      %dma_start3A_72 = tpu.memref_slice %arg11[%add3A_19, %dma_start3A_71] : memref<10240x16xf32, #tpu.memory_space<vmem_shared>> -> memref<128x16xf32, #tpu.memory_space<vmem_shared>>
      tpu.enqueue_dma source(%arg19 : memref<128x16xf32, #tpu.memory_space<vmem>>) target(%dma_start3A_72 : memref<128x16xf32, #tpu.memory_space<vmem_shared>>) target_semaphore(%run_scoped3A : memref<!tpu.dma_semaphore, #tpu.memory_space<semaphore_mem>>)
      %dma_wait3A = arith.constant 0 : i32
      %dma_wait3A_73 = tpu.memref_slice %arg11[%add3A_19, %dma_wait3A] : memref<10240x16xf32, #tpu.memory_space<vmem_shared>> -> memref<128x16xf32, #tpu.memory_space<vmem_shared>>
      %dma_wait3A_74 = arith.constant 0 : i32
      %dma_wait3A_75 = tpu.memref_slice %arg11[%add3A_19, %dma_wait3A_74] : memref<10240x16xf32, #tpu.memory_space<vmem_shared>> -> memref<128x16xf32, #tpu.memory_space<vmem_shared>>
      tpu.wait_dma2 semaphore(%run_scoped3A : memref<!tpu.dma_semaphore, #tpu.memory_space<semaphore_mem>>) src(%arg19 : memref<128x16xf32, #tpu.memory_space<vmem>>) dst(%dma_wait3A_75 : memref<128x16xf32, #tpu.memory_space<vmem_shared>>)
      tpu.yield
    }) : () -> ()
    %mul3A_20 = arith.constant 640 : i32
    %mul3A_21 = arith.muli %arg1, %mul3A_20 : i32
    %add3A_22 = arith.constant 128 : i32
    %add3A_23 = arith.addi %mul3A_21, %add3A_22 : i32
    "tpu.region"() ({
      %run_scoped3A = tpu.sem_alloc : memref<!tpu.dma_semaphore, #tpu.memory_space<semaphore_mem>>
      %dma_start3A = arith.constant 0 : i32
      %dma_start3A_70 = tpu.memref_slice %arg10[%add3A_23, %dma_start3A] : memref<10240x128xf32, #tpu.memory_space<vmem_shared>> -> memref<128x128xf32, #tpu.memory_space<vmem_shared>>
      %dma_start3A_71 = arith.constant 0 : i32
      %dma_start3A_72 = tpu.memref_slice %arg10[%add3A_23, %dma_start3A_71] : memref<10240x128xf32, #tpu.memory_space<vmem_shared>> -> memref<128x128xf32, #tpu.memory_space<vmem_shared>>
      tpu.enqueue_dma source(%arg18 : memref<128x128xf32, #tpu.memory_space<vmem>>) target(%dma_start3A_72 : memref<128x128xf32, #tpu.memory_space<vmem_shared>>) target_semaphore(%run_scoped3A : memref<!tpu.dma_semaphore, #tpu.memory_space<semaphore_mem>>)
      %dma_wait3A = arith.constant 0 : i32
      %dma_wait3A_73 = tpu.memref_slice %arg10[%add3A_23, %dma_wait3A] : memref<10240x128xf32, #tpu.memory_space<vmem_shared>> -> memref<128x128xf32, #tpu.memory_space<vmem_shared>>
      %dma_wait3A_74 = arith.constant 0 : i32
      %dma_wait3A_75 = tpu.memref_slice %arg10[%add3A_23, %dma_wait3A_74] : memref<10240x128xf32, #tpu.memory_space<vmem_shared>> -> memref<128x128xf32, #tpu.memory_space<vmem_shared>>
      tpu.wait_dma2 semaphore(%run_scoped3A : memref<!tpu.dma_semaphore, #tpu.memory_space<semaphore_mem>>) src(%arg18 : memref<128x128xf32, #tpu.memory_space<vmem>>) dst(%dma_wait3A_75 : memref<128x128xf32, #tpu.memory_space<vmem_shared>>)
      tpu.yield
    }) : () -> ()
    %mul3A_24 = arith.constant 640 : i32
    %mul3A_25 = arith.muli %arg1, %mul3A_24 : i32
    %add3A_26 = arith.constant 128 : i32
    %add3A_27 = arith.addi %mul3A_25, %add3A_26 : i32
    "tpu.region"() ({
      %run_scoped3A = tpu.sem_alloc : memref<!tpu.dma_semaphore, #tpu.memory_space<semaphore_mem>>
      %dma_start3A = arith.constant 0 : i32
      %dma_start3A_70 = tpu.memref_slice %arg11[%add3A_27, %dma_start3A] : memref<10240x16xf32, #tpu.memory_space<vmem_shared>> -> memref<128x16xf32, #tpu.memory_space<vmem_shared>>
      %dma_start3A_71 = arith.constant 0 : i32
      %dma_start3A_72 = tpu.memref_slice %arg11[%add3A_27, %dma_start3A_71] : memref<10240x16xf32, #tpu.memory_space<vmem_shared>> -> memref<128x16xf32, #tpu.memory_space<vmem_shared>>
      tpu.enqueue_dma source(%arg19 : memref<128x16xf32, #tpu.memory_space<vmem>>) target(%dma_start3A_72 : memref<128x16xf32, #tpu.memory_space<vmem_shared>>) target_semaphore(%run_scoped3A : memref<!tpu.dma_semaphore, #tpu.memory_space<semaphore_mem>>)
      %dma_wait3A = arith.constant 0 : i32
      %dma_wait3A_73 = tpu.memref_slice %arg11[%add3A_27, %dma_wait3A] : memref<10240x16xf32, #tpu.memory_space<vmem_shared>> -> memref<128x16xf32, #tpu.memory_space<vmem_shared>>
      %dma_wait3A_74 = arith.constant 0 : i32
      %dma_wait3A_75 = tpu.memref_slice %arg11[%add3A_27, %dma_wait3A_74] : memref<10240x16xf32, #tpu.memory_space<vmem_shared>> -> memref<128x16xf32, #tpu.memory_space<vmem_shared>>
      tpu.wait_dma2 semaphore(%run_scoped3A : memref<!tpu.dma_semaphore, #tpu.memory_space<semaphore_mem>>) src(%arg19 : memref<128x16xf32, #tpu.memory_space<vmem>>) dst(%dma_wait3A_75 : memref<128x16xf32, #tpu.memory_space<vmem_shared>>)
      tpu.yield
    }) : () -> ()
    %mul3A_28 = arith.constant 640 : i32
    %mul3A_29 = arith.muli %arg1, %mul3A_28 : i32
    %add3A_30 = arith.constant 256 : i32
    %add3A_31 = arith.addi %mul3A_29, %add3A_30 : i32
    "tpu.region"() ({
      %run_scoped3A = tpu.sem_alloc : memref<!tpu.dma_semaphore, #tpu.memory_space<semaphore_mem>>
      %dma_start3A = arith.constant 0 : i32
      %dma_start3A_70 = tpu.memref_slice %arg10[%add3A_31, %dma_start3A] : memref<10240x128xf32, #tpu.memory_space<vmem_shared>> -> memref<128x128xf32, #tpu.memory_space<vmem_shared>>
      %dma_start3A_71 = arith.constant 0 : i32
      %dma_start3A_72 = tpu.memref_slice %arg10[%add3A_31, %dma_start3A_71] : memref<10240x128xf32, #tpu.memory_space<vmem_shared>> -> memref<128x128xf32, #tpu.memory_space<vmem_shared>>
      tpu.enqueue_dma source(%arg18 : memref<128x128xf32, #tpu.memory_space<vmem>>) target(%dma_start3A_72 : memref<128x128xf32, #tpu.memory_space<vmem_shared>>) target_semaphore(%run_scoped3A : memref<!tpu.dma_semaphore, #tpu.memory_space<semaphore_mem>>)
      %dma_wait3A = arith.constant 0 : i32
      %dma_wait3A_73 = tpu.memref_slice %arg10[%add3A_31, %dma_wait3A] : memref<10240x128xf32, #tpu.memory_space<vmem_shared>> -> memref<128x128xf32, #tpu.memory_space<vmem_shared>>
      %dma_wait3A_74 = arith.constant 0 : i32
      %dma_wait3A_75 = tpu.memref_slice %arg10[%add3A_31, %dma_wait3A_74] : memref<10240x128xf32, #tpu.memory_space<vmem_shared>> -> memref<128x128xf32, #tpu.memory_space<vmem_shared>>
      tpu.wait_dma2 semaphore(%run_scoped3A : memref<!tpu.dma_semaphore, #tpu.memory_space<semaphore_mem>>) src(%arg18 : memref<128x128xf32, #tpu.memory_space<vmem>>) dst(%dma_wait3A_75 : memref<128x128xf32, #tpu.memory_space<vmem_shared>>)
      tpu.yield
    }) : () -> ()
    %mul3A_32 = arith.constant 640 : i32
    %mul3A_33 = arith.muli %arg1, %mul3A_32 : i32
    %add3A_34 = arith.constant 256 : i32
    %add3A_35 = arith.addi %mul3A_33, %add3A_34 : i32
    "tpu.region"() ({
      %run_scoped3A = tpu.sem_alloc : memref<!tpu.dma_semaphore, #tpu.memory_space<semaphore_mem>>
      %dma_start3A = arith.constant 0 : i32
      %dma_start3A_70 = tpu.memref_slice %arg11[%add3A_35, %dma_start3A] : memref<10240x16xf32, #tpu.memory_space<vmem_shared>> -> memref<128x16xf32, #tpu.memory_space<vmem_shared>>
      %dma_start3A_71 = arith.constant 0 : i32
      %dma_start3A_72 = tpu.memref_slice %arg11[%add3A_35, %dma_start3A_71] : memref<10240x16xf32, #tpu.memory_space<vmem_shared>> -> memref<128x16xf32, #tpu.memory_space<vmem_shared>>
      tpu.enqueue_dma source(%arg19 : memref<128x16xf32, #tpu.memory_space<vmem>>) target(%dma_start3A_72 : memref<128x16xf32, #tpu.memory_space<vmem_shared>>) target_semaphore(%run_scoped3A : memref<!tpu.dma_semaphore, #tpu.memory_space<semaphore_mem>>)
      %dma_wait3A = arith.constant 0 : i32
      %dma_wait3A_73 = tpu.memref_slice %arg11[%add3A_35, %dma_wait3A] : memref<10240x16xf32, #tpu.memory_space<vmem_shared>> -> memref<128x16xf32, #tpu.memory_space<vmem_shared>>
      %dma_wait3A_74 = arith.constant 0 : i32
      %dma_wait3A_75 = tpu.memref_slice %arg11[%add3A_35, %dma_wait3A_74] : memref<10240x16xf32, #tpu.memory_space<vmem_shared>> -> memref<128x16xf32, #tpu.memory_space<vmem_shared>>
      tpu.wait_dma2 semaphore(%run_scoped3A : memref<!tpu.dma_semaphore, #tpu.memory_space<semaphore_mem>>) src(%arg19 : memref<128x16xf32, #tpu.memory_space<vmem>>) dst(%dma_wait3A_75 : memref<128x16xf32, #tpu.memory_space<vmem_shared>>)
      tpu.yield
    }) : () -> ()
    %mul3A_36 = arith.constant 640 : i32
    %mul3A_37 = arith.muli %arg1, %mul3A_36 : i32
    %add3A_38 = arith.constant 384 : i32
    %add3A_39 = arith.addi %mul3A_37, %add3A_38 : i32
    "tpu.region"() ({
      %run_scoped3A = tpu.sem_alloc : memref<!tpu.dma_semaphore, #tpu.memory_space<semaphore_mem>>
      %dma_start3A = arith.constant 0 : i32
      %dma_start3A_70 = tpu.memref_slice %arg10[%add3A_39, %dma_start3A] : memref<10240x128xf32, #tpu.memory_space<vmem_shared>> -> memref<128x128xf32, #tpu.memory_space<vmem_shared>>
      %dma_start3A_71 = arith.constant 0 : i32
      %dma_start3A_72 = tpu.memref_slice %arg10[%add3A_39, %dma_start3A_71] : memref<10240x128xf32, #tpu.memory_space<vmem_shared>> -> memref<128x128xf32, #tpu.memory_space<vmem_shared>>
      tpu.enqueue_dma source(%arg18 : memref<128x128xf32, #tpu.memory_space<vmem>>) target(%dma_start3A_72 : memref<128x128xf32, #tpu.memory_space<vmem_shared>>) target_semaphore(%run_scoped3A : memref<!tpu.dma_semaphore, #tpu.memory_space<semaphore_mem>>)
      %dma_wait3A = arith.constant 0 : i32
      %dma_wait3A_73 = tpu.memref_slice %arg10[%add3A_39, %dma_wait3A] : memref<10240x128xf32, #tpu.memory_space<vmem_shared>> -> memref<128x128xf32, #tpu.memory_space<vmem_shared>>
      %dma_wait3A_74 = arith.constant 0 : i32
      %dma_wait3A_75 = tpu.memref_slice %arg10[%add3A_39, %dma_wait3A_74] : memref<10240x128xf32, #tpu.memory_space<vmem_shared>> -> memref<128x128xf32, #tpu.memory_space<vmem_shared>>
      tpu.wait_dma2 semaphore(%run_scoped3A : memref<!tpu.dma_semaphore, #tpu.memory_space<semaphore_mem>>) src(%arg18 : memref<128x128xf32, #tpu.memory_space<vmem>>) dst(%dma_wait3A_75 : memref<128x128xf32, #tpu.memory_space<vmem_shared>>)
      tpu.yield
    }) : () -> ()
    %mul3A_40 = arith.constant 640 : i32
    %mul3A_41 = arith.muli %arg1, %mul3A_40 : i32
    %add3A_42 = arith.constant 384 : i32
    %add3A_43 = arith.addi %mul3A_41, %add3A_42 : i32
    "tpu.region"() ({
      %run_scoped3A = tpu.sem_alloc : memref<!tpu.dma_semaphore, #tpu.memory_space<semaphore_mem>>
      %dma_start3A = arith.constant 0 : i32
      %dma_start3A_70 = tpu.memref_slice %arg11[%add3A_43, %dma_start3A] : memref<10240x16xf32, #tpu.memory_space<vmem_shared>> -> memref<128x16xf32, #tpu.memory_space<vmem_shared>>
      %dma_start3A_71 = arith.constant 0 : i32
      %dma_start3A_72 = tpu.memref_slice %arg11[%add3A_43, %dma_start3A_71] : memref<10240x16xf32, #tpu.memory_space<vmem_shared>> -> memref<128x16xf32, #tpu.memory_space<vmem_shared>>
      tpu.enqueue_dma source(%arg19 : memref<128x16xf32, #tpu.memory_space<vmem>>) target(%dma_start3A_72 : memref<128x16xf32, #tpu.memory_space<vmem_shared>>) target_semaphore(%run_scoped3A : memref<!tpu.dma_semaphore, #tpu.memory_space<semaphore_mem>>)
      %dma_wait3A = arith.constant 0 : i32
      %dma_wait3A_73 = tpu.memref_slice %arg11[%add3A_43, %dma_wait3A] : memref<10240x16xf32, #tpu.memory_space<vmem_shared>> -> memref<128x16xf32, #tpu.memory_space<vmem_shared>>
      %dma_wait3A_74 = arith.constant 0 : i32
      %dma_wait3A_75 = tpu.memref_slice %arg11[%add3A_43, %dma_wait3A_74] : memref<10240x16xf32, #tpu.memory_space<vmem_shared>> -> memref<128x16xf32, #tpu.memory_space<vmem_shared>>
      tpu.wait_dma2 semaphore(%run_scoped3A : memref<!tpu.dma_semaphore, #tpu.memory_space<semaphore_mem>>) src(%arg19 : memref<128x16xf32, #tpu.memory_space<vmem>>) dst(%dma_wait3A_75 : memref<128x16xf32, #tpu.memory_space<vmem_shared>>)
      tpu.yield
    }) : () -> ()
    %mul3A_44 = arith.constant 640 : i32
    %mul3A_45 = arith.muli %arg1, %mul3A_44 : i32
    %add3A_46 = arith.constant 512 : i32
    %add3A_47 = arith.addi %mul3A_45, %add3A_46 : i32
    "tpu.region"() ({
      %run_scoped3A = tpu.sem_alloc : memref<!tpu.dma_semaphore, #tpu.memory_space<semaphore_mem>>
      %dma_start3A = arith.constant 0 : i32
      %dma_start3A_70 = tpu.memref_slice %arg10[%add3A_47, %dma_start3A] : memref<10240x128xf32, #tpu.memory_space<vmem_shared>> -> memref<128x128xf32, #tpu.memory_space<vmem_shared>>
      %dma_start3A_71 = arith.constant 0 : i32
      %dma_start3A_72 = tpu.memref_slice %arg10[%add3A_47, %dma_start3A_71] : memref<10240x128xf32, #tpu.memory_space<vmem_shared>> -> memref<128x128xf32, #tpu.memory_space<vmem_shared>>
      tpu.enqueue_dma source(%arg18 : memref<128x128xf32, #tpu.memory_space<vmem>>) target(%dma_start3A_72 : memref<128x128xf32, #tpu.memory_space<vmem_shared>>) target_semaphore(%run_scoped3A : memref<!tpu.dma_semaphore, #tpu.memory_space<semaphore_mem>>)
      %dma_wait3A = arith.constant 0 : i32
      %dma_wait3A_73 = tpu.memref_slice %arg10[%add3A_47, %dma_wait3A] : memref<10240x128xf32, #tpu.memory_space<vmem_shared>> -> memref<128x128xf32, #tpu.memory_space<vmem_shared>>
      %dma_wait3A_74 = arith.constant 0 : i32
      %dma_wait3A_75 = tpu.memref_slice %arg10[%add3A_47, %dma_wait3A_74] : memref<10240x128xf32, #tpu.memory_space<vmem_shared>> -> memref<128x128xf32, #tpu.memory_space<vmem_shared>>
      tpu.wait_dma2 semaphore(%run_scoped3A : memref<!tpu.dma_semaphore, #tpu.memory_space<semaphore_mem>>) src(%arg18 : memref<128x128xf32, #tpu.memory_space<vmem>>) dst(%dma_wait3A_75 : memref<128x128xf32, #tpu.memory_space<vmem_shared>>)
      tpu.yield
    }) : () -> ()
    %mul3A_48 = arith.constant 640 : i32
    %mul3A_49 = arith.muli %arg1, %mul3A_48 : i32
    %add3A_50 = arith.constant 512 : i32
    %add3A_51 = arith.addi %mul3A_49, %add3A_50 : i32
    "tpu.region"() ({
      %run_scoped3A = tpu.sem_alloc : memref<!tpu.dma_semaphore, #tpu.memory_space<semaphore_mem>>
      %dma_start3A = arith.constant 0 : i32
      %dma_start3A_70 = tpu.memref_slice %arg11[%add3A_51, %dma_start3A] : memref<10240x16xf32, #tpu.memory_space<vmem_shared>> -> memref<128x16xf32, #tpu.memory_space<vmem_shared>>
      %dma_start3A_71 = arith.constant 0 : i32
      %dma_start3A_72 = tpu.memref_slice %arg11[%add3A_51, %dma_start3A_71] : memref<10240x16xf32, #tpu.memory_space<vmem_shared>> -> memref<128x16xf32, #tpu.memory_space<vmem_shared>>
      tpu.enqueue_dma source(%arg19 : memref<128x16xf32, #tpu.memory_space<vmem>>) target(%dma_start3A_72 : memref<128x16xf32, #tpu.memory_space<vmem_shared>>) target_semaphore(%run_scoped3A : memref<!tpu.dma_semaphore, #tpu.memory_space<semaphore_mem>>)
      %dma_wait3A = arith.constant 0 : i32
      %dma_wait3A_73 = tpu.memref_slice %arg11[%add3A_51, %dma_wait3A] : memref<10240x16xf32, #tpu.memory_space<vmem_shared>> -> memref<128x16xf32, #tpu.memory_space<vmem_shared>>
      %dma_wait3A_74 = arith.constant 0 : i32
      %dma_wait3A_75 = tpu.memref_slice %arg11[%add3A_51, %dma_wait3A_74] : memref<10240x16xf32, #tpu.memory_space<vmem_shared>> -> memref<128x16xf32, #tpu.memory_space<vmem_shared>>
      tpu.wait_dma2 semaphore(%run_scoped3A : memref<!tpu.dma_semaphore, #tpu.memory_space<semaphore_mem>>) src(%arg19 : memref<128x16xf32, #tpu.memory_space<vmem>>) dst(%dma_wait3A_75 : memref<128x16xf32, #tpu.memory_space<vmem_shared>>)
      tpu.yield
    }) : () -> ()
    %barrier3A = arith.constant 0 : index
    tpu.barrier barrier_id(%barrier3A)
    "tpu.region"() ({
      %run_scoped3A = tpu.sem_alloc : memref<!tpu.dma_semaphore, #tpu.memory_space<semaphore_mem>>
      %dma_start3A = arith.constant 0 : i32
      %dma_start3A_70 = tpu.memref_slice %arg5[%dma_start3A] : memref<128xf32, #tpu.memory_space<hbm>> -> memref<16xf32, #tpu.memory_space<hbm>>
      %dma_start3A_71 = arith.constant 0 : i32
      %dma_start3A_72 = tpu.memref_slice %arg5[%dma_start3A_71] : memref<128xf32, #tpu.memory_space<hbm>> -> memref<16xf32, #tpu.memory_space<hbm>>
      tpu.enqueue_dma source(%dma_start3A_72 : memref<16xf32, #tpu.memory_space<hbm>>) target(%arg20 : memref<16xf32, #tpu.memory_space<vmem>>) target_semaphore(%run_scoped3A : memref<!tpu.dma_semaphore, #tpu.memory_space<semaphore_mem>>)
      %dma_wait3A = arith.constant 0 : i32
      %dma_wait3A_73 = tpu.memref_slice %arg5[%dma_wait3A] : memref<128xf32, #tpu.memory_space<hbm>> -> memref<16xf32, #tpu.memory_space<hbm>>
      %dma_wait3A_74 = arith.constant 0 : i32
      %dma_wait3A_75 = tpu.memref_slice %arg5[%dma_wait3A_74] : memref<128xf32, #tpu.memory_space<hbm>> -> memref<16xf32, #tpu.memory_space<hbm>>
      tpu.wait_dma2 semaphore(%run_scoped3A : memref<!tpu.dma_semaphore, #tpu.memory_space<semaphore_mem>>) src(%dma_wait3A_75 : memref<16xf32, #tpu.memory_space<hbm>>) dst(%arg20 : memref<16xf32, #tpu.memory_space<vmem>>)
      tpu.yield
    }) : () -> ()
    %get3A = arith.constant 0 : index
    %get3A_52 = tpu.vector_load %arg20[%get3A] {strides = array<i32>} : memref<16xf32, #tpu.memory_space<vmem>>, vector<16xf32>,
    %mul3A_53 = arith.constant 10368 : i32
    %mul3A_54 = arith.muli %add3A, %mul3A_53 : i32
    %scan3A_55 = arith.constant 0 : i32
    %scan3A_56 = arith.constant 0 : i32
    %scan3A_57 = arith.constant 81 : i32
    %scan3A_58 = arith.addi %scan3A_56, %scan3A_57 : i32
    %scan3A_59 = arith.constant 1 : i32
    scf.for %scan3A_70 = %scan3A_56 to %scan3A_58 step %scan3A_59  : i32 {
      %mul3A_71 = arith.constant 128 : i32
      %mul3A_72 = arith.muli %scan3A_70, %mul3A_71 : i32
      %add3A_73 = arith.addi %mul3A_54, %mul3A_72 : i32
      %run_scoped3A = arith.constant 0 : i32
      "tpu.region"() ({
        %run_scoped3A_242 = tpu.sem_alloc : memref<!tpu.dma_semaphore, #tpu.memory_space<semaphore_mem>>
        %dma_start3A_243 = arith.constant 0 : i32
        %dma_start3A_244 = tpu.memref_slice %arg12[%run_scoped3A, %dma_start3A_243] : memref<1x128xi32, #tpu.memory_space<vmem>> -> memref<1x128xi32, #tpu.memory_space<vmem>>
        %dma_start3A_245 = tpu.memref_squeeze %dma_start3A_244 : memref<1x128xi32, #tpu.memory_space<vmem>> -> memref<128xi32, #tpu.memory_space<vmem>>
        %dma_start3A_246 = tpu.memref_slice %arg6[%add3A_73] : memref<331776xi32, #tpu.memory_space<hbm>> -> memref<128xi32, #tpu.memory_space<hbm>>
        %dma_start3A_247 = arith.constant 0 : i32
        %dma_start3A_248 = tpu.memref_slice %arg12[%run_scoped3A, %dma_start3A_247] : memref<1x128xi32, #tpu.memory_space<vmem>> -> memref<1x128xi32, #tpu.memory_space<vmem>>
        %dma_start3A_249 = tpu.memref_squeeze %dma_start3A_248 : memref<1x128xi32, #tpu.memory_space<vmem>> -> memref<128xi32, #tpu.memory_space<vmem>>
        %dma_start3A_250 = tpu.memref_slice %arg6[%add3A_73] : memref<331776xi32, #tpu.memory_space<hbm>> -> memref<128xi32, #tpu.memory_space<hbm>>
        tpu.enqueue_dma source(%dma_start3A_250 : memref<128xi32, #tpu.memory_space<hbm>>) target(%dma_start3A_249 : memref<128xi32, #tpu.memory_space<vmem>>) target_semaphore(%run_scoped3A_242 : memref<!tpu.dma_semaphore, #tpu.memory_space<semaphore_mem>>)
        %dma_wait3A_251 = arith.constant 0 : i32
        %dma_wait3A_252 = tpu.memref_slice %arg12[%run_scoped3A, %dma_wait3A_251] : memref<1x128xi32, #tpu.memory_space<vmem>> -> memref<1x128xi32, #tpu.memory_space<vmem>>
        %dma_wait3A_253 = tpu.memref_squeeze %dma_wait3A_252 : memref<1x128xi32, #tpu.memory_space<vmem>> -> memref<128xi32, #tpu.memory_space<vmem>>
        %dma_wait3A_254 = tpu.memref_slice %arg6[%add3A_73] : memref<331776xi32, #tpu.memory_space<hbm>> -> memref<128xi32, #tpu.memory_space<hbm>>
        %dma_wait3A_255 = arith.constant 0 : i32
        %dma_wait3A_256 = tpu.memref_slice %arg12[%run_scoped3A, %dma_wait3A_255] : memref<1x128xi32, #tpu.memory_space<vmem>> -> memref<1x128xi32, #tpu.memory_space<vmem>>
        %dma_wait3A_257 = tpu.memref_squeeze %dma_wait3A_256 : memref<1x128xi32, #tpu.memory_space<vmem>> -> memref<128xi32, #tpu.memory_space<vmem>>
        %dma_wait3A_258 = tpu.memref_slice %arg6[%add3A_73] : memref<331776xi32, #tpu.memory_space<hbm>> -> memref<128xi32, #tpu.memory_space<hbm>>
        tpu.wait_dma2 semaphore(%run_scoped3A_242 : memref<!tpu.dma_semaphore, #tpu.memory_space<semaphore_mem>>) src(%dma_wait3A_258 : memref<128xi32, #tpu.memory_space<hbm>>) dst(%dma_wait3A_257 : memref<128xi32, #tpu.memory_space<vmem>>)
        tpu.yield
      }) : () -> ()
      %run_scoped3A_74 = arith.constant 0 : i32
      "tpu.region"() ({
        %run_scoped3A_242 = tpu.sem_alloc : memref<!tpu.dma_semaphore, #tpu.memory_space<semaphore_mem>>
        %dma_start3A_243 = arith.constant 0 : i32
        %dma_start3A_244 = tpu.memref_slice %arg13[%run_scoped3A_74, %dma_start3A_243] : memref<1x128xi32, #tpu.memory_space<vmem>> -> memref<1x128xi32, #tpu.memory_space<vmem>>
        %dma_start3A_245 = tpu.memref_squeeze %dma_start3A_244 : memref<1x128xi32, #tpu.memory_space<vmem>> -> memref<128xi32, #tpu.memory_space<vmem>>
        %dma_start3A_246 = tpu.memref_slice %arg7[%add3A_73] : memref<331776xi32, #tpu.memory_space<hbm>> -> memref<128xi32, #tpu.memory_space<hbm>>
        %dma_start3A_247 = arith.constant 0 : i32
        %dma_start3A_248 = tpu.memref_slice %arg13[%run_scoped3A_74, %dma_start3A_247] : memref<1x128xi32, #tpu.memory_space<vmem>> -> memref<1x128xi32, #tpu.memory_space<vmem>>
        %dma_start3A_249 = tpu.memref_squeeze %dma_start3A_248 : memref<1x128xi32, #tpu.memory_space<vmem>> -> memref<128xi32, #tpu.memory_space<vmem>>
        %dma_start3A_250 = tpu.memref_slice %arg7[%add3A_73] : memref<331776xi32, #tpu.memory_space<hbm>> -> memref<128xi32, #tpu.memory_space<hbm>>
        tpu.enqueue_dma source(%dma_start3A_250 : memref<128xi32, #tpu.memory_space<hbm>>) target(%dma_start3A_249 : memref<128xi32, #tpu.memory_space<vmem>>) target_semaphore(%run_scoped3A_242 : memref<!tpu.dma_semaphore, #tpu.memory_space<semaphore_mem>>)
        %dma_wait3A_251 = arith.constant 0 : i32
        %dma_wait3A_252 = tpu.memref_slice %arg13[%run_scoped3A_74, %dma_wait3A_251] : memref<1x128xi32, #tpu.memory_space<vmem>> -> memref<1x128xi32, #tpu.memory_space<vmem>>
        %dma_wait3A_253 = tpu.memref_squeeze %dma_wait3A_252 : memref<1x128xi32, #tpu.memory_space<vmem>> -> memref<128xi32, #tpu.memory_space<vmem>>
        %dma_wait3A_254 = tpu.memref_slice %arg7[%add3A_73] : memref<331776xi32, #tpu.memory_space<hbm>> -> memref<128xi32, #tpu.memory_space<hbm>>
        %dma_wait3A_255 = arith.constant 0 : i32
        %dma_wait3A_256 = tpu.memref_slice %arg13[%run_scoped3A_74, %dma_wait3A_255] : memref<1x128xi32, #tpu.memory_space<vmem>> -> memref<1x128xi32, #tpu.memory_space<vmem>>
        %dma_wait3A_257 = tpu.memref_squeeze %dma_wait3A_256 : memref<1x128xi32, #tpu.memory_space<vmem>> -> memref<128xi32, #tpu.memory_space<vmem>>
        %dma_wait3A_258 = tpu.memref_slice %arg7[%add3A_73] : memref<331776xi32, #tpu.memory_space<hbm>> -> memref<128xi32, #tpu.memory_space<hbm>>
        tpu.wait_dma2 semaphore(%run_scoped3A_242 : memref<!tpu.dma_semaphore, #tpu.memory_space<semaphore_mem>>) src(%dma_wait3A_258 : memref<128xi32, #tpu.memory_space<hbm>>) dst(%dma_wait3A_257 : memref<128xi32, #tpu.memory_space<vmem>>)
        tpu.yield
      }) : () -> ()
      %dma_start3A = arith.constant 0 : i32
      %dma_start3A_75 = arith.constant 0 : i32
      %dma_start3A_76 = tpu.memref_slice %arg12[%dma_start3A, %dma_start3A_75] : memref<1x128xi32, #tpu.memory_space<vmem>> -> memref<1x128xi32, #tpu.memory_space<vmem>>
      %dma_start3A_77 = tpu.memref_squeeze %dma_start3A_76 : memref<1x128xi32, #tpu.memory_space<vmem>> -> memref<128xi32, #tpu.memory_space<vmem>>
      %dma_start3A_78 = arith.constant 0 : i32
      %dma_start3A_79 = arith.constant 0 : i32
      %dma_start3A_80 = tpu.memref_slice %arg2[%dma_start3A_78, %dma_start3A_79] : memref<10240x128xf32, #tpu.memory_space<hbm>> -> memref<10240x128xf32, #tpu.memory_space<hbm>>
      tpu.enqueue_indirect_dma source(%dma_start3A_80 : memref<10240x128xf32, #tpu.memory_space<hbm>>) target(%arg18 : memref<128x128xf32, #tpu.memory_space<vmem>>) offsets(%dma_start3A_77 : memref<128xi32, #tpu.memory_space<vmem>>) semaphore(%arg21 : memref<!tpu.dma_semaphore, #tpu.memory_space<semaphore_mem>>)
      %dma_wait3A = arith.constant 0 : i32
      %dma_wait3A_81 = arith.constant 0 : i32
      %dma_wait3A_82 = tpu.memref_slice %arg12[%dma_wait3A, %dma_wait3A_81] : memref<1x128xi32, #tpu.memory_space<vmem>> -> memref<1x128xi32, #tpu.memory_space<vmem>>
      %dma_wait3A_83 = tpu.memref_squeeze %dma_wait3A_82 : memref<1x128xi32, #tpu.memory_space<vmem>> -> memref<128xi32, #tpu.memory_space<vmem>>
      %dma_wait3A_84 = arith.constant 0 : i32
      %dma_wait3A_85 = arith.constant 0 : i32
      %dma_wait3A_86 = tpu.memref_slice %arg2[%dma_wait3A_84, %dma_wait3A_85] : memref<10240x128xf32, #tpu.memory_space<hbm>> -> memref<10240x128xf32, #tpu.memory_space<hbm>>
      tpu.wait_indirect_dma semaphore(%arg21 : memref<!tpu.dma_semaphore, #tpu.memory_space<semaphore_mem>>) src(%dma_wait3A_86 : memref<10240x128xf32, #tpu.memory_space<hbm>>) dst(%arg18 : memref<128x128xf32, #tpu.memory_space<vmem>>)
      %dma_start3A_87 = arith.constant 0 : i32
      %dma_start3A_88 = arith.constant 0 : i32
      %dma_start3A_89 = tpu.memref_slice %arg12[%dma_start3A_87, %dma_start3A_88] : memref<1x128xi32, #tpu.memory_space<vmem>> -> memref<1x128xi32, #tpu.memory_space<vmem>>
      %dma_start3A_90 = tpu.memref_squeeze %dma_start3A_89 : memref<1x128xi32, #tpu.memory_space<vmem>> -> memref<128xi32, #tpu.memory_space<vmem>>
      %dma_start3A_91 = arith.constant 0 : i32
      %dma_start3A_92 = tpu.memref_slice %arg3[%dma_start3A_91] : memref<10240xf32, #tpu.memory_space<hbm>> -> memref<10240xf32, #tpu.memory_space<hbm>>
      tpu.enqueue_indirect_dma source(%dma_start3A_92 : memref<10240xf32, #tpu.memory_space<hbm>>) target(%arg14 : memref<128xf32, #tpu.memory_space<vmem>>) offsets(%dma_start3A_90 : memref<128xi32, #tpu.memory_space<vmem>>) semaphore(%arg21 : memref<!tpu.dma_semaphore, #tpu.memory_space<semaphore_mem>>)
      %dma_wait3A_93 = arith.constant 0 : i32
      %dma_wait3A_94 = arith.constant 0 : i32
      %dma_wait3A_95 = tpu.memref_slice %arg12[%dma_wait3A_93, %dma_wait3A_94] : memref<1x128xi32, #tpu.memory_space<vmem>> -> memref<1x128xi32, #tpu.memory_space<vmem>>
      %dma_wait3A_96 = tpu.memref_squeeze %dma_wait3A_95 : memref<1x128xi32, #tpu.memory_space<vmem>> -> memref<128xi32, #tpu.memory_space<vmem>>
      %dma_wait3A_97 = arith.constant 0 : i32
      %dma_wait3A_98 = tpu.memref_slice %arg3[%dma_wait3A_97] : memref<10240xf32, #tpu.memory_space<hbm>> -> memref<10240xf32, #tpu.memory_space<hbm>>
      tpu.wait_indirect_dma semaphore(%arg21 : memref<!tpu.dma_semaphore, #tpu.memory_space<semaphore_mem>>) src(%dma_wait3A_98 : memref<10240xf32, #tpu.memory_space<hbm>>) dst(%arg14 : memref<128xf32, #tpu.memory_space<vmem>>)
      %dma_start3A_99 = arith.constant 0 : i32
      %dma_start3A_100 = arith.constant 0 : i32
      %dma_start3A_101 = tpu.memref_slice %arg13[%dma_start3A_99, %dma_start3A_100] : memref<1x128xi32, #tpu.memory_space<vmem>> -> memref<1x128xi32, #tpu.memory_space<vmem>>
      %dma_start3A_102 = tpu.memref_squeeze %dma_start3A_101 : memref<1x128xi32, #tpu.memory_space<vmem>> -> memref<128xi32, #tpu.memory_space<vmem>>
      %dma_start3A_103 = arith.constant 0 : i32
      %dma_start3A_104 = tpu.memref_slice %arg4[%dma_start3A_103] : memref<10240xf32, #tpu.memory_space<hbm>> -> memref<10240xf32, #tpu.memory_space<hbm>>
      tpu.enqueue_indirect_dma source(%dma_start3A_104 : memref<10240xf32, #tpu.memory_space<hbm>>) target(%arg15 : memref<128xf32, #tpu.memory_space<vmem>>) offsets(%dma_start3A_102 : memref<128xi32, #tpu.memory_space<vmem>>) semaphore(%arg21 : memref<!tpu.dma_semaphore, #tpu.memory_space<semaphore_mem>>)
      %dma_wait3A_105 = arith.constant 0 : i32
      %dma_wait3A_106 = arith.constant 0 : i32
      %dma_wait3A_107 = tpu.memref_slice %arg13[%dma_wait3A_105, %dma_wait3A_106] : memref<1x128xi32, #tpu.memory_space<vmem>> -> memref<1x128xi32, #tpu.memory_space<vmem>>
      %dma_wait3A_108 = tpu.memref_squeeze %dma_wait3A_107 : memref<1x128xi32, #tpu.memory_space<vmem>> -> memref<128xi32, #tpu.memory_space<vmem>>
      %dma_wait3A_109 = arith.constant 0 : i32
      %dma_wait3A_110 = tpu.memref_slice %arg4[%dma_wait3A_109] : memref<10240xf32, #tpu.memory_space<hbm>> -> memref<10240xf32, #tpu.memory_space<hbm>>
      tpu.wait_indirect_dma semaphore(%arg21 : memref<!tpu.dma_semaphore, #tpu.memory_space<semaphore_mem>>) src(%dma_wait3A_110 : memref<10240xf32, #tpu.memory_space<hbm>>) dst(%arg15 : memref<128xf32, #tpu.memory_space<vmem>>)
      %get3A_111 = arith.constant 0 : index
      %get3A_112 = tpu.vector_load %arg14[%get3A_111] {strides = array<i32>} : memref<128xf32, #tpu.memory_space<vmem>>, vector<16xf32>,
      %get3A_113 = arith.constant 0 : index
      %get3A_114 = tpu.vector_load %arg15[%get3A_113] {strides = array<i32>} : memref<128xf32, #tpu.memory_space<vmem>>, vector<16xf32>,
      %add3A_115 = arith.addf %get3A_112, %get3A_114 : vector<16xf32>
      %gt3A = arith.constant 0.000000e+00 : f32
      %gt3A_116 = vector.broadcast %gt3A : f32 to vector<16xf32>
      %gt3A_117 = arith.cmpf ogt, %add3A_115, %gt3A_116 : vector<16xf32>
      %mul3A_118 = arith.constant 2.000000e-01 : f32
      %mul3A_119 = vector.broadcast %mul3A_118 : f32 to vector<16xf32>
      %mul3A_120 = arith.mulf %mul3A_119, %add3A_115 : vector<16xf32>
      %select_n3A = arith.select %gt3A_117, %add3A_115, %mul3A_120 : vector<16xi1>, vector<16xf32>
      %sub3A = arith.subf %select_n3A, %get3A_52 : vector<16xf32>
      %exp3A = math.exp %sub3A : vector<16xf32>
      %swap3A = arith.constant 0 : index
      %swap3A_121 = tpu.vector_load %arg16[%swap3A] {strides = array<i32>} : memref<128xf32, #tpu.memory_space<vmem>>, vector<16xf32>,
      tpu.vector_store %arg16[%swap3A], %exp3A {strides = array<i32>} : memref<128xf32, #tpu.memory_space<vmem>>, vector<16xf32>,
      %get3A_122 = arith.constant 16 : index
      %get3A_123 = tpu.vector_load %arg14[%get3A_122] {strides = array<i32>} : memref<128xf32, #tpu.memory_space<vmem>>, vector<16xf32>,
      %get3A_124 = arith.constant 16 : index
      %get3A_125 = tpu.vector_load %arg15[%get3A_124] {strides = array<i32>} : memref<128xf32, #tpu.memory_space<vmem>>, vector<16xf32>,
      %add3A_126 = arith.addf %get3A_123, %get3A_125 : vector<16xf32>
      %gt3A_127 = arith.constant 0.000000e+00 : f32
      %gt3A_128 = vector.broadcast %gt3A_127 : f32 to vector<16xf32>
      %gt3A_129 = arith.cmpf ogt, %add3A_126, %gt3A_128 : vector<16xf32>
      %mul3A_130 = arith.constant 2.000000e-01 : f32
      %mul3A_131 = vector.broadcast %mul3A_130 : f32 to vector<16xf32>
      %mul3A_132 = arith.mulf %mul3A_131, %add3A_126 : vector<16xf32>
      %select_n3A_133 = arith.select %gt3A_129, %add3A_126, %mul3A_132 : vector<16xi1>, vector<16xf32>
      %sub3A_134 = arith.subf %select_n3A_133, %get3A_52 : vector<16xf32>
      %exp3A_135 = math.exp %sub3A_134 : vector<16xf32>
      %swap3A_136 = arith.constant 16 : index
      %swap3A_137 = tpu.vector_load %arg16[%swap3A_136] {strides = array<i32>} : memref<128xf32, #tpu.memory_space<vmem>>, vector<16xf32>,
      tpu.vector_store %arg16[%swap3A_136], %exp3A_135 {strides = array<i32>} : memref<128xf32, #tpu.memory_space<vmem>>, vector<16xf32>,
      %get3A_138 = arith.constant 32 : index
      %get3A_139 = tpu.vector_load %arg14[%get3A_138] {strides = array<i32>} : memref<128xf32, #tpu.memory_space<vmem>>, vector<16xf32>,
      %get3A_140 = arith.constant 32 : index
      %get3A_141 = tpu.vector_load %arg15[%get3A_140] {strides = array<i32>} : memref<128xf32, #tpu.memory_space<vmem>>, vector<16xf32>,
      %add3A_142 = arith.addf %get3A_139, %get3A_141 : vector<16xf32>
      %gt3A_143 = arith.constant 0.000000e+00 : f32
      %gt3A_144 = vector.broadcast %gt3A_143 : f32 to vector<16xf32>
      %gt3A_145 = arith.cmpf ogt, %add3A_142, %gt3A_144 : vector<16xf32>
      %mul3A_146 = arith.constant 2.000000e-01 : f32
      %mul3A_147 = vector.broadcast %mul3A_146 : f32 to vector<16xf32>
      %mul3A_148 = arith.mulf %mul3A_147, %add3A_142 : vector<16xf32>
      %select_n3A_149 = arith.select %gt3A_145, %add3A_142, %mul3A_148 : vector<16xi1>, vector<16xf32>
      %sub3A_150 = arith.subf %select_n3A_149, %get3A_52 : vector<16xf32>
      %exp3A_151 = math.exp %sub3A_150 : vector<16xf32>
      %swap3A_152 = arith.constant 32 : index
      %swap3A_153 = tpu.vector_load %arg16[%swap3A_152] {strides = array<i32>} : memref<128xf32, #tpu.memory_space<vmem>>, vector<16xf32>,
      tpu.vector_store %arg16[%swap3A_152], %exp3A_151 {strides = array<i32>} : memref<128xf32, #tpu.memory_space<vmem>>, vector<16xf32>,
      %get3A_154 = arith.constant 48 : index
      %get3A_155 = tpu.vector_load %arg14[%get3A_154] {strides = array<i32>} : memref<128xf32, #tpu.memory_space<vmem>>, vector<16xf32>,
      %get3A_156 = arith.constant 48 : index
      %get3A_157 = tpu.vector_load %arg15[%get3A_156] {strides = array<i32>} : memref<128xf32, #tpu.memory_space<vmem>>, vector<16xf32>,
      %add3A_158 = arith.addf %get3A_155, %get3A_157 : vector<16xf32>
      %gt3A_159 = arith.constant 0.000000e+00 : f32
      %gt3A_160 = vector.broadcast %gt3A_159 : f32 to vector<16xf32>
      %gt3A_161 = arith.cmpf ogt, %add3A_158, %gt3A_160 : vector<16xf32>
      %mul3A_162 = arith.constant 2.000000e-01 : f32
      %mul3A_163 = vector.broadcast %mul3A_162 : f32 to vector<16xf32>
      %mul3A_164 = arith.mulf %mul3A_163, %add3A_158 : vector<16xf32>
      %select_n3A_165 = arith.select %gt3A_161, %add3A_158, %mul3A_164 : vector<16xi1>, vector<16xf32>
      %sub3A_166 = arith.subf %select_n3A_165, %get3A_52 : vector<16xf32>
      %exp3A_167 = math.exp %sub3A_166 : vector<16xf32>
      %swap3A_168 = arith.constant 48 : index
      %swap3A_169 = tpu.vector_load %arg16[%swap3A_168] {strides = array<i32>} : memref<128xf32, #tpu.memory_space<vmem>>, vector<16xf32>,
      tpu.vector_store %arg16[%swap3A_168], %exp3A_167 {strides = array<i32>} : memref<128xf32, #tpu.memory_space<vmem>>, vector<16xf32>,
      %get3A_170 = arith.constant 64 : index
      %get3A_171 = tpu.vector_load %arg14[%get3A_170] {strides = array<i32>} : memref<128xf32, #tpu.memory_space<vmem>>, vector<16xf32>,
      %get3A_172 = arith.constant 64 : index
      %get3A_173 = tpu.vector_load %arg15[%get3A_172] {strides = array<i32>} : memref<128xf32, #tpu.memory_space<vmem>>, vector<16xf32>,
      %add3A_174 = arith.addf %get3A_171, %get3A_173 : vector<16xf32>
      %gt3A_175 = arith.constant 0.000000e+00 : f32
      %gt3A_176 = vector.broadcast %gt3A_175 : f32 to vector<16xf32>
      %gt3A_177 = arith.cmpf ogt, %add3A_174, %gt3A_176 : vector<16xf32>
      %mul3A_178 = arith.constant 2.000000e-01 : f32
      %mul3A_179 = vector.broadcast %mul3A_178 : f32 to vector<16xf32>
      %mul3A_180 = arith.mulf %mul3A_179, %add3A_174 : vector<16xf32>
      %select_n3A_181 = arith.select %gt3A_177, %add3A_174, %mul3A_180 : vector<16xi1>, vector<16xf32>
      %sub3A_182 = arith.subf %select_n3A_181, %get3A_52 : vector<16xf32>
      %exp3A_183 = math.exp %sub3A_182 : vector<16xf32>
      %swap3A_184 = arith.constant 64 : index
      %swap3A_185 = tpu.vector_load %arg16[%swap3A_184] {strides = array<i32>} : memref<128xf32, #tpu.memory_space<vmem>>, vector<16xf32>,
      tpu.vector_store %arg16[%swap3A_184], %exp3A_183 {strides = array<i32>} : memref<128xf32, #tpu.memory_space<vmem>>, vector<16xf32>,
      %get3A_186 = arith.constant 80 : index
      %get3A_187 = tpu.vector_load %arg14[%get3A_186] {strides = array<i32>} : memref<128xf32, #tpu.memory_space<vmem>>, vector<16xf32>,
      %get3A_188 = arith.constant 80 : index
      %get3A_189 = tpu.vector_load %arg15[%get3A_188] {strides = array<i32>} : memref<128xf32, #tpu.memory_space<vmem>>, vector<16xf32>,
      %add3A_190 = arith.addf %get3A_187, %get3A_189 : vector<16xf32>
      %gt3A_191 = arith.constant 0.000000e+00 : f32
      %gt3A_192 = vector.broadcast %gt3A_191 : f32 to vector<16xf32>
      %gt3A_193 = arith.cmpf ogt, %add3A_190, %gt3A_192 : vector<16xf32>
      %mul3A_194 = arith.constant 2.000000e-01 : f32
      %mul3A_195 = vector.broadcast %mul3A_194 : f32 to vector<16xf32>
      %mul3A_196 = arith.mulf %mul3A_195, %add3A_190 : vector<16xf32>
      %select_n3A_197 = arith.select %gt3A_193, %add3A_190, %mul3A_196 : vector<16xi1>, vector<16xf32>
      %sub3A_198 = arith.subf %select_n3A_197, %get3A_52 : vector<16xf32>
      %exp3A_199 = math.exp %sub3A_198 : vector<16xf32>
      %swap3A_200 = arith.constant 80 : index
      %swap3A_201 = tpu.vector_load %arg16[%swap3A_200] {strides = array<i32>} : memref<128xf32, #tpu.memory_space<vmem>>, vector<16xf32>,
      tpu.vector_store %arg16[%swap3A_200], %exp3A_199 {strides = array<i32>} : memref<128xf32, #tpu.memory_space<vmem>>, vector<16xf32>,
      %get3A_202 = arith.constant 96 : index
      %get3A_203 = tpu.vector_load %arg14[%get3A_202] {strides = array<i32>} : memref<128xf32, #tpu.memory_space<vmem>>, vector<16xf32>,
      %get3A_204 = arith.constant 96 : index
      %get3A_205 = tpu.vector_load %arg15[%get3A_204] {strides = array<i32>} : memref<128xf32, #tpu.memory_space<vmem>>, vector<16xf32>,
      %add3A_206 = arith.addf %get3A_203, %get3A_205 : vector<16xf32>
      %gt3A_207 = arith.constant 0.000000e+00 : f32
      %gt3A_208 = vector.broadcast %gt3A_207 : f32 to vector<16xf32>
      %gt3A_209 = arith.cmpf ogt, %add3A_206, %gt3A_208 : vector<16xf32>
      %mul3A_210 = arith.constant 2.000000e-01 : f32
      %mul3A_211 = vector.broadcast %mul3A_210 : f32 to vector<16xf32>
      %mul3A_212 = arith.mulf %mul3A_211, %add3A_206 : vector<16xf32>
      %select_n3A_213 = arith.select %gt3A_209, %add3A_206, %mul3A_212 : vector<16xi1>, vector<16xf32>
      %sub3A_214 = arith.subf %select_n3A_213, %get3A_52 : vector<16xf32>
      %exp3A_215 = math.exp %sub3A_214 : vector<16xf32>
      %swap3A_216 = arith.constant 96 : index
      %swap3A_217 = tpu.vector_load %arg16[%swap3A_216] {strides = array<i32>} : memref<128xf32, #tpu.memory_space<vmem>>, vector<16xf32>,
      tpu.vector_store %arg16[%swap3A_216], %exp3A_215 {strides = array<i32>} : memref<128xf32, #tpu.memory_space<vmem>>, vector<16xf32>,
      %get3A_218 = arith.constant 112 : index
      %get3A_219 = tpu.vector_load %arg14[%get3A_218] {strides = array<i32>} : memref<128xf32, #tpu.memory_space<vmem>>, vector<16xf32>,
      %get3A_220 = arith.constant 112 : index
      %get3A_221 = tpu.vector_load %arg15[%get3A_220] {strides = array<i32>} : memref<128xf32, #tpu.memory_space<vmem>>, vector<16xf32>,
      %add3A_222 = arith.addf %get3A_219, %get3A_221 : vector<16xf32>
      %gt3A_223 = arith.constant 0.000000e+00 : f32
      %gt3A_224 = vector.broadcast %gt3A_223 : f32 to vector<16xf32>
      %gt3A_225 = arith.cmpf ogt, %add3A_222, %gt3A_224 : vector<16xf32>
      %mul3A_226 = arith.constant 2.000000e-01 : f32
      %mul3A_227 = vector.broadcast %mul3A_226 : f32 to vector<16xf32>
      %mul3A_228 = arith.mulf %mul3A_227, %add3A_222 : vector<16xf32>
      %select_n3A_229 = arith.select %gt3A_225, %add3A_222, %mul3A_228 : vector<16xi1>, vector<16xf32>
      %sub3A_230 = arith.subf %select_n3A_229, %get3A_52 : vector<16xf32>
      %exp3A_231 = math.exp %sub3A_230 : vector<16xf32>
      %swap3A_232 = arith.constant 112 : index
      %swap3A_233 = tpu.vector_load %arg16[%swap3A_232] {strides = array<i32>} : memref<128xf32, #tpu.memory_space<vmem>>, vector<16xf32>,
      tpu.vector_store %arg16[%swap3A_232], %exp3A_231 {strides = array<i32>} : memref<128xf32, #tpu.memory_space<vmem>>, vector<16xf32>,
      %scan3A_234 = arith.constant 0 : i32
      %scan3A_235 = arith.constant 0 : i32
      %scan3A_236 = arith.constant 128 : i32
      %scan3A_237 = arith.addi %scan3A_235, %scan3A_236 : i32
      %scan3A_238 = arith.constant 1 : i32
      scf.for %scan3A_242 = %scan3A_235 to %scan3A_237 step %scan3A_238  : i32 {
        %broadcast_in_dim3A = vector.broadcast %scan3A_242 : i32 to vector<16xi32>
        %gather3A = tpu.vector_load_idx %arg16[%broadcast_in_dim3A] : memref<128xf32, #tpu.memory_space<vmem>>[vector<16xi32>], vector<16xf32>,
        %swap3A_243 = arith.index_cast %scan3A_242 : i32 to index
        %swap3A_244 = arith.constant 0 : index
        %swap3A_245 = tpu.vector_load %arg17[%swap3A_243, %swap3A_244] {strides = array<i32>} : memref<128x16xf32, #tpu.memory_space<vmem>>, vector<16xf32>,
        tpu.vector_store %arg17[%swap3A_243, %swap3A_244], %gather3A {strides = array<i32>} : memref<128x16xf32, #tpu.memory_space<vmem>>, vector<16xf32>,
        %get3A_246 = arith.index_cast %scan3A_242 : i32 to index
        %get3A_247 = arith.constant 0 : index
        %get3A_248 = tpu.vector_load %arg18[%get3A_246, %get3A_247] {strides = array<i32>} : memref<128x128xf32, #tpu.memory_space<vmem>>, vector<16xf32>,
        %mul3A_249 = arith.mulf %get3A_248, %gather3A : vector<16xf32>
        %swap3A_250 = arith.index_cast %scan3A_242 : i32 to index
        %swap3A_251 = arith.constant 0 : index
        %swap3A_252 = tpu.vector_load %arg18[%swap3A_250, %swap3A_251] {strides = array<i32>} : memref<128x128xf32, #tpu.memory_space<vmem>>, vector<16xf32>,
        tpu.vector_store %arg18[%swap3A_250, %swap3A_251], %mul3A_249 {strides = array<i32>} : memref<128x128xf32, #tpu.memory_space<vmem>>, vector<16xf32>,
        %get3A_253 = arith.index_cast %scan3A_242 : i32 to index
        %get3A_254 = arith.constant 16 : index
        %get3A_255 = tpu.vector_load %arg18[%get3A_253, %get3A_254] {strides = array<i32>} : memref<128x128xf32, #tpu.memory_space<vmem>>, vector<16xf32>,
        %mul3A_256 = arith.mulf %get3A_255, %gather3A : vector<16xf32>
        %swap3A_257 = arith.index_cast %scan3A_242 : i32 to index
        %swap3A_258 = arith.constant 16 : index
        %swap3A_259 = tpu.vector_load %arg18[%swap3A_257, %swap3A_258] {strides = array<i32>} : memref<128x128xf32, #tpu.memory_space<vmem>>, vector<16xf32>,
        tpu.vector_store %arg18[%swap3A_257, %swap3A_258], %mul3A_256 {strides = array<i32>} : memref<128x128xf32, #tpu.memory_space<vmem>>, vector<16xf32>,
        %get3A_260 = arith.index_cast %scan3A_242 : i32 to index
        %get3A_261 = arith.constant 32 : index
        %get3A_262 = tpu.vector_load %arg18[%get3A_260, %get3A_261] {strides = array<i32>} : memref<128x128xf32, #tpu.memory_space<vmem>>, vector<16xf32>,
        %mul3A_263 = arith.mulf %get3A_262, %gather3A : vector<16xf32>
        %swap3A_264 = arith.index_cast %scan3A_242 : i32 to index
        %swap3A_265 = arith.constant 32 : index
        %swap3A_266 = tpu.vector_load %arg18[%swap3A_264, %swap3A_265] {strides = array<i32>} : memref<128x128xf32, #tpu.memory_space<vmem>>, vector<16xf32>,
        tpu.vector_store %arg18[%swap3A_264, %swap3A_265], %mul3A_263 {strides = array<i32>} : memref<128x128xf32, #tpu.memory_space<vmem>>, vector<16xf32>,
        %get3A_267 = arith.index_cast %scan3A_242 : i32 to index
        %get3A_268 = arith.constant 48 : index
        %get3A_269 = tpu.vector_load %arg18[%get3A_267, %get3A_268] {strides = array<i32>} : memref<128x128xf32, #tpu.memory_space<vmem>>, vector<16xf32>,
        %mul3A_270 = arith.mulf %get3A_269, %gather3A : vector<16xf32>
        %swap3A_271 = arith.index_cast %scan3A_242 : i32 to index
        %swap3A_272 = arith.constant 48 : index
        %swap3A_273 = tpu.vector_load %arg18[%swap3A_271, %swap3A_272] {strides = array<i32>} : memref<128x128xf32, #tpu.memory_space<vmem>>, vector<16xf32>,
        tpu.vector_store %arg18[%swap3A_271, %swap3A_272], %mul3A_270 {strides = array<i32>} : memref<128x128xf32, #tpu.memory_space<vmem>>, vector<16xf32>,
        %get3A_274 = arith.index_cast %scan3A_242 : i32 to index
        %get3A_275 = arith.constant 64 : index
        %get3A_276 = tpu.vector_load %arg18[%get3A_274, %get3A_275] {strides = array<i32>} : memref<128x128xf32, #tpu.memory_space<vmem>>, vector<16xf32>,
        %mul3A_277 = arith.mulf %get3A_276, %gather3A : vector<16xf32>
        %swap3A_278 = arith.index_cast %scan3A_242 : i32 to index
        %swap3A_279 = arith.constant 64 : index
        %swap3A_280 = tpu.vector_load %arg18[%swap3A_278, %swap3A_279] {strides = array<i32>} : memref<128x128xf32, #tpu.memory_space<vmem>>, vector<16xf32>,
        tpu.vector_store %arg18[%swap3A_278, %swap3A_279], %mul3A_277 {strides = array<i32>} : memref<128x128xf32, #tpu.memory_space<vmem>>, vector<16xf32>,
        %get3A_281 = arith.index_cast %scan3A_242 : i32 to index
        %get3A_282 = arith.constant 80 : index
        %get3A_283 = tpu.vector_load %arg18[%get3A_281, %get3A_282] {strides = array<i32>} : memref<128x128xf32, #tpu.memory_space<vmem>>, vector<16xf32>,
        %mul3A_284 = arith.mulf %get3A_283, %gather3A : vector<16xf32>
        %swap3A_285 = arith.index_cast %scan3A_242 : i32 to index
        %swap3A_286 = arith.constant 80 : index
        %swap3A_287 = tpu.vector_load %arg18[%swap3A_285, %swap3A_286] {strides = array<i32>} : memref<128x128xf32, #tpu.memory_space<vmem>>, vector<16xf32>,
        tpu.vector_store %arg18[%swap3A_285, %swap3A_286], %mul3A_284 {strides = array<i32>} : memref<128x128xf32, #tpu.memory_space<vmem>>, vector<16xf32>,
        %get3A_288 = arith.index_cast %scan3A_242 : i32 to index
        %get3A_289 = arith.constant 96 : index
        %get3A_290 = tpu.vector_load %arg18[%get3A_288, %get3A_289] {strides = array<i32>} : memref<128x128xf32, #tpu.memory_space<vmem>>, vector<16xf32>,
        %mul3A_291 = arith.mulf %get3A_290, %gather3A : vector<16xf32>
        %swap3A_292 = arith.index_cast %scan3A_242 : i32 to index
        %swap3A_293 = arith.constant 96 : index
        %swap3A_294 = tpu.vector_load %arg18[%swap3A_292, %swap3A_293] {strides = array<i32>} : memref<128x128xf32, #tpu.memory_space<vmem>>, vector<16xf32>,
        tpu.vector_store %arg18[%swap3A_292, %swap3A_293], %mul3A_291 {strides = array<i32>} : memref<128x128xf32, #tpu.memory_space<vmem>>, vector<16xf32>,
        %get3A_295 = arith.index_cast %scan3A_242 : i32 to index
        %get3A_296 = arith.constant 112 : index
        %get3A_297 = tpu.vector_load %arg18[%get3A_295, %get3A_296] {strides = array<i32>} : memref<128x128xf32, #tpu.memory_space<vmem>>, vector<16xf32>,
        %mul3A_298 = arith.mulf %get3A_297, %gather3A : vector<16xf32>
        %swap3A_299 = arith.index_cast %scan3A_242 : i32 to index
        %swap3A_300 = arith.constant 112 : index
        %swap3A_301 = tpu.vector_load %arg18[%swap3A_299, %swap3A_300] {strides = array<i32>} : memref<128x128xf32, #tpu.memory_space<vmem>>, vector<16xf32>,
        tpu.vector_store %arg18[%swap3A_299, %swap3A_300], %mul3A_298 {strides = array<i32>} : memref<128x128xf32, #tpu.memory_space<vmem>>, vector<16xf32>,
      }
      %scan3A_239 = arith.constant 128 : i32
      %run_scoped3A_240 = arith.constant 0 : i32
      "tpu.region"() ({
        %run_scoped3A_242 = tpu.sem_alloc : memref<!tpu.dma_semaphore, #tpu.memory_space<semaphore_mem>>
        %dma_start3A_243 = arith.constant 0 : i32
        %dma_start3A_244 = tpu.memref_slice %arg13[%run_scoped3A_240, %dma_start3A_243] : memref<1x128xi32, #tpu.memory_space<vmem>> -> memref<1x128xi32, #tpu.memory_space<vmem>>
        %dma_start3A_245 = tpu.memref_squeeze %dma_start3A_244 : memref<1x128xi32, #tpu.memory_space<vmem>> -> memref<128xi32, #tpu.memory_space<vmem>>
        %dma_start3A_246 = arith.constant 0 : i32
        %dma_start3A_247 = arith.constant 0 : i32
        %dma_start3A_248 = tpu.memref_slice %arg10[%dma_start3A_246, %dma_start3A_247] : memref<10240x128xf32, #tpu.memory_space<vmem_shared>> -> memref<10240x128xf32, #tpu.memory_space<vmem_shared>>
        tpu.enqueue_indirect_dma source(%arg18 : memref<128x128xf32, #tpu.memory_space<vmem>>) target(%dma_start3A_248 : memref<10240x128xf32, #tpu.memory_space<vmem_shared>>) offsets(%dma_start3A_245 : memref<128xi32, #tpu.memory_space<vmem>>) semaphore(%run_scoped3A_242 : memref<!tpu.dma_semaphore, #tpu.memory_space<semaphore_mem>>) {add = true}
        %dma_wait3A_249 = arith.constant 0 : i32
        %dma_wait3A_250 = tpu.memref_slice %arg13[%run_scoped3A_240, %dma_wait3A_249] : memref<1x128xi32, #tpu.memory_space<vmem>> -> memref<1x128xi32, #tpu.memory_space<vmem>>
        %dma_wait3A_251 = tpu.memref_squeeze %dma_wait3A_250 : memref<1x128xi32, #tpu.memory_space<vmem>> -> memref<128xi32, #tpu.memory_space<vmem>>
        %dma_wait3A_252 = arith.constant 0 : i32
        %dma_wait3A_253 = arith.constant 0 : i32
        %dma_wait3A_254 = tpu.memref_slice %arg10[%dma_wait3A_252, %dma_wait3A_253] : memref<10240x128xf32, #tpu.memory_space<vmem_shared>> -> memref<10240x128xf32, #tpu.memory_space<vmem_shared>>
        tpu.wait_indirect_dma semaphore(%run_scoped3A_242 : memref<!tpu.dma_semaphore, #tpu.memory_space<semaphore_mem>>) src(%arg18 : memref<128x128xf32, #tpu.memory_space<vmem>>) dst(%dma_wait3A_254 : memref<10240x128xf32, #tpu.memory_space<vmem_shared>>)
        tpu.yield
      }) : () -> ()
      %run_scoped3A_241 = arith.constant 0 : i32
      "tpu.region"() ({
        %run_scoped3A_242 = tpu.sem_alloc : memref<!tpu.dma_semaphore, #tpu.memory_space<semaphore_mem>>
        %dma_start3A_243 = arith.constant 0 : i32
        %dma_start3A_244 = tpu.memref_slice %arg13[%run_scoped3A_241, %dma_start3A_243] : memref<1x128xi32, #tpu.memory_space<vmem>> -> memref<1x128xi32, #tpu.memory_space<vmem>>
        %dma_start3A_245 = tpu.memref_squeeze %dma_start3A_244 : memref<1x128xi32, #tpu.memory_space<vmem>> -> memref<128xi32, #tpu.memory_space<vmem>>
        %dma_start3A_246 = arith.constant 0 : i32
        %dma_start3A_247 = arith.constant 0 : i32
        %dma_start3A_248 = tpu.memref_slice %arg11[%dma_start3A_246, %dma_start3A_247] : memref<10240x16xf32, #tpu.memory_space<vmem_shared>> -> memref<10240x16xf32, #tpu.memory_space<vmem_shared>>
        tpu.enqueue_indirect_dma source(%arg17 : memref<128x16xf32, #tpu.memory_space<vmem>>) target(%dma_start3A_248 : memref<10240x16xf32, #tpu.memory_space<vmem_shared>>) offsets(%dma_start3A_245 : memref<128xi32, #tpu.memory_space<vmem>>) semaphore(%run_scoped3A_242 : memref<!tpu.dma_semaphore, #tpu.memory_space<semaphore_mem>>) {add = true}
        %dma_wait3A_249 = arith.constant 0 : i32
        %dma_wait3A_250 = tpu.memref_slice %arg13[%run_scoped3A_241, %dma_wait3A_249] : memref<1x128xi32, #tpu.memory_space<vmem>> -> memref<1x128xi32, #tpu.memory_space<vmem>>
        %dma_wait3A_251 = tpu.memref_squeeze %dma_wait3A_250 : memref<1x128xi32, #tpu.memory_space<vmem>> -> memref<128xi32, #tpu.memory_space<vmem>>
        %dma_wait3A_252 = arith.constant 0 : i32
        %dma_wait3A_253 = arith.constant 0 : i32
        %dma_wait3A_254 = tpu.memref_slice %arg11[%dma_wait3A_252, %dma_wait3A_253] : memref<10240x16xf32, #tpu.memory_space<vmem_shared>> -> memref<10240x16xf32, #tpu.memory_space<vmem_shared>>
        tpu.wait_indirect_dma semaphore(%run_scoped3A_242 : memref<!tpu.dma_semaphore, #tpu.memory_space<semaphore_mem>>) src(%arg17 : memref<128x16xf32, #tpu.memory_space<vmem>>) dst(%dma_wait3A_254 : memref<10240x16xf32, #tpu.memory_space<vmem_shared>>)
        tpu.yield
      }) : () -> ()
    }
    %scan3A_60 = arith.constant 81 : i32
    %barrier3A_61 = arith.constant 0 : index
    tpu.barrier barrier_id(%barrier3A_61)
    %mul3A_62 = arith.constant 640 : i32
    %mul3A_63 = arith.muli %arg1, %mul3A_62 : i32
    %mul3A_64 = arith.constant 640 : i32
    %mul3A_65 = arith.muli %arg1, %mul3A_64 : i32
    "tpu.region"() ({
      %run_scoped3A = tpu.sem_alloc : memref<!tpu.dma_semaphore, #tpu.memory_space<semaphore_mem>>
      %dma_start3A = arith.constant 0 : i32
      %dma_start3A_70 = tpu.memref_slice %arg8[%arg0, %mul3A_65, %dma_start3A] : memref<2x10240x128xf32, #tpu.memory_space<hbm>> -> memref<1x640x128xf32, #tpu.memory_space<hbm>>
      %dma_start3A_71 = tpu.memref_squeeze %dma_start3A_70 : memref<1x640x128xf32, #tpu.memory_space<hbm>> -> memref<640x128xf32, #tpu.memory_space<hbm>>
      %dma_start3A_72 = arith.constant 0 : i32
      %dma_start3A_73 = tpu.memref_slice %arg10[%mul3A_63, %dma_start3A_72] : memref<10240x128xf32, #tpu.memory_space<vmem_shared>> -> memref<640x128xf32, #tpu.memory_space<vmem_shared>>
      tpu.enqueue_dma source(%dma_start3A_73 : memref<640x128xf32, #tpu.memory_space<vmem_shared>>) target(%dma_start3A_71 : memref<640x128xf32, #tpu.memory_space<hbm>>) target_semaphore(%run_scoped3A : memref<!tpu.dma_semaphore, #tpu.memory_space<semaphore_mem>>)
      %dma_wait3A = arith.constant 0 : i32
      %dma_wait3A_74 = tpu.memref_slice %arg8[%arg0, %mul3A_65, %dma_wait3A] : memref<2x10240x128xf32, #tpu.memory_space<hbm>> -> memref<1x640x128xf32, #tpu.memory_space<hbm>>
      %dma_wait3A_75 = tpu.memref_squeeze %dma_wait3A_74 : memref<1x640x128xf32, #tpu.memory_space<hbm>> -> memref<640x128xf32, #tpu.memory_space<hbm>>
      %dma_wait3A_76 = arith.constant 0 : i32
      %dma_wait3A_77 = tpu.memref_slice %arg10[%mul3A_63, %dma_wait3A_76] : memref<10240x128xf32, #tpu.memory_space<vmem_shared>> -> memref<640x128xf32, #tpu.memory_space<vmem_shared>>
      tpu.wait_dma2 semaphore(%run_scoped3A : memref<!tpu.dma_semaphore, #tpu.memory_space<semaphore_mem>>) src(%dma_wait3A_77 : memref<640x128xf32, #tpu.memory_space<vmem_shared>>) dst(%dma_wait3A_75 : memref<640x128xf32, #tpu.memory_space<hbm>>)
      tpu.yield
    }) : () -> ()
    %mul3A_66 = arith.constant 640 : i32
    %mul3A_67 = arith.muli %arg1, %mul3A_66 : i32
    %mul3A_68 = arith.constant 640 : i32
    %mul3A_69 = arith.muli %arg1, %mul3A_68 : i32
    "tpu.region"() ({
      %run_scoped3A = tpu.sem_alloc : memref<!tpu.dma_semaphore, #tpu.memory_space<semaphore_mem>>
      %dma_start3A = arith.constant 0 : i32
      %dma_start3A_70 = tpu.memref_slice %arg9[%arg0, %mul3A_69, %dma_start3A] : memref<2x10240x16xf32, #tpu.memory_space<hbm>> -> memref<1x640x16xf32, #tpu.memory_space<hbm>>
      %dma_start3A_71 = tpu.memref_squeeze %dma_start3A_70 : memref<1x640x16xf32, #tpu.memory_space<hbm>> -> memref<640x16xf32, #tpu.memory_space<hbm>>
      %dma_start3A_72 = arith.constant 0 : i32
      %dma_start3A_73 = tpu.memref_slice %arg11[%mul3A_67, %dma_start3A_72] : memref<10240x16xf32, #tpu.memory_space<vmem_shared>> -> memref<640x16xf32, #tpu.memory_space<vmem_shared>>
      tpu.enqueue_dma source(%dma_start3A_73 : memref<640x16xf32, #tpu.memory_space<vmem_shared>>) target(%dma_start3A_71 : memref<640x16xf32, #tpu.memory_space<hbm>>) target_semaphore(%run_scoped3A : memref<!tpu.dma_semaphore, #tpu.memory_space<semaphore_mem>>)
      %dma_wait3A = arith.constant 0 : i32
      %dma_wait3A_74 = tpu.memref_slice %arg9[%arg0, %mul3A_69, %dma_wait3A] : memref<2x10240x16xf32, #tpu.memory_space<hbm>> -> memref<1x640x16xf32, #tpu.memory_space<hbm>>
      %dma_wait3A_75 = tpu.memref_squeeze %dma_wait3A_74 : memref<1x640x16xf32, #tpu.memory_space<hbm>> -> memref<640x16xf32, #tpu.memory_space<hbm>>
      %dma_wait3A_76 = arith.constant 0 : i32
      %dma_wait3A_77 = tpu.memref_slice %arg11[%mul3A_67, %dma_wait3A_76] : memref<10240x16xf32, #tpu.memory_space<vmem_shared>> -> memref<640x16xf32, #tpu.memory_space<vmem_shared>>
      tpu.wait_dma2 semaphore(%run_scoped3A : memref<!tpu.dma_semaphore, #tpu.memory_space<semaphore_mem>>) src(%dma_wait3A_77 : memref<640x16xf32, #tpu.memory_space<vmem_shared>>) dst(%dma_wait3A_75 : memref<640x16xf32, #tpu.memory_space<hbm>>)
      tpu.yield
    }) : () -> ()
    return
  }
}

module attributes {stable_mosaic.version = 14 : i64} {
  func.func @_sage_mm_body(%arg0: memref<10240x128xf32, #tpu.memory_space<vmem>>, %arg1: memref<128x128xf32, #tpu.memory_space<vmem>>, %arg2: memref<128x128xf32, #tpu.memory_space<vmem>>, %arg3: memref<128xf32, #tpu.memory_space<vmem>>, %arg4: memref<10240x128xf32, #tpu.memory_space<vmem>>, %arg5: memref<10240x128xf32, #tpu.memory_space<vmem>>) attributes {dimension_semantics = [], scalar_prefetch = 0 : i64, scratch_operands = 0 : i64, tpu.core_type = #tpu.core_type<tc>} {
    %get3A = arith.constant 0 : index
    %get3A_0 = arith.constant 0 : index
    %get3A_1 = vector.load %arg0[%get3A, %get3A_0] : memref<10240x128xf32, #tpu.memory_space<vmem>>, vector<10240x128xf32>
    %get3A_2 = arith.constant 0 : index
    %get3A_3 = arith.constant 0 : index
    %get3A_4 = vector.load %arg1[%get3A_2, %get3A_3] : memref<128x128xf32, #tpu.memory_space<vmem>>, vector<128x128xf32>
    %dot_general3A = arith.constant dense<0.000000e+00> : vector<10240x128xf32>
    %dot_general3A_5 = tpu.matmul %get3A_1, %get3A_4, %dot_general3A {dimension_numbers = #tpu.dot_dimension_numbers<[1], [0], [0], [1], [0, 0, 1, 1], [], []>, transpose_lhs_hint = false} : vector<10240x128xf32>, vector<128x128xf32>, vector<10240x128xf32> -> vector<10240x128xf32>
    %swap3A = arith.constant 0 : index
    %swap3A_6 = arith.constant 0 : index
    %swap3A_7 = vector.load %arg4[%swap3A, %swap3A_6] : memref<10240x128xf32, #tpu.memory_space<vmem>>, vector<10240x128xf32>
    tpu.vector_store %arg4[%swap3A, %swap3A_6], %dot_general3A_5 {strides = array<i32>} : memref<10240x128xf32, #tpu.memory_space<vmem>>, vector<10240x128xf32>,
    %get3A_8 = arith.constant 0 : index
    %get3A_9 = arith.constant 0 : index
    %get3A_10 = vector.load %arg2[%get3A_8, %get3A_9] : memref<128x128xf32, #tpu.memory_space<vmem>>, vector<128x128xf32>
    %dot_general3A_11 = arith.constant dense<0.000000e+00> : vector<10240x128xf32>
    %dot_general3A_12 = tpu.matmul %get3A_1, %get3A_10, %dot_general3A_11 {dimension_numbers = #tpu.dot_dimension_numbers<[1], [0], [0], [1], [0, 0, 1, 1], [], []>, transpose_lhs_hint = false} : vector<10240x128xf32>, vector<128x128xf32>, vector<10240x128xf32> -> vector<10240x128xf32>
    %get3A_13 = arith.constant 0 : index
    %get3A_14 = vector.load %arg3[%get3A_13] : memref<128xf32, #tpu.memory_space<vmem>>, vector<128xf32>
    %broadcast_in_dim3A = vector.shape_cast %get3A_14 : vector<128xf32> to vector<1x128xf32>
    %add3A = vector.broadcast %broadcast_in_dim3A : vector<1x128xf32> to vector<10240x128xf32>
    %add3A_15 = arith.addf %dot_general3A_12, %add3A : vector<10240x128xf32>
    %swap3A_16 = arith.constant 0 : index
    %swap3A_17 = arith.constant 0 : index
    %swap3A_18 = vector.load %arg5[%swap3A_16, %swap3A_17] : memref<10240x128xf32, #tpu.memory_space<vmem>>, vector<10240x128xf32>
    tpu.vector_store %arg5[%swap3A_16, %swap3A_17], %add3A_15 {strides = array<i32>} : memref<10240x128xf32, #tpu.memory_space<vmem>>, vector<10240x128xf32>,
    return
  }
}

module attributes {stable_mosaic.version = 14 : i64} {
  func.func @_mid_body(%arg0: memref<2x10240x128xf32, #tpu.memory_space<vmem>>, %arg1: memref<2x10240x16xf32, #tpu.memory_space<vmem>>, %arg2: memref<10240x128xf32, #tpu.memory_space<vmem>>, %arg3: memref<128x128xf32, #tpu.memory_space<vmem>>, %arg4: memref<128xf32, #tpu.memory_space<vmem>>, %arg5: memref<128xf32, #tpu.memory_space<vmem>>, %arg6: memref<10240x128xf32, #tpu.memory_space<vmem>>, %arg7: memref<10240x1xf32, #tpu.memory_space<vmem>>, %arg8: memref<10240x1xf32, #tpu.memory_space<vmem>>, %arg9: memref<1x128xf32, #tpu.memory_space<vmem>>) attributes {dimension_semantics = [], scalar_prefetch = 0 : i64, scratch_operands = 0 : i64, tpu.core_type = #tpu.core_type<tc>} {
    %get3A = arith.constant 0 : index
    %get3A_0 = arith.constant 0 : index
    %get3A_1 = arith.constant 0 : index
    %get3A_2 = vector.load %arg0[%get3A, %get3A_0, %get3A_1] : memref<2x10240x128xf32, #tpu.memory_space<vmem>>, vector<1x10240x128xf32>
    %get3A_3 = vector.shape_cast %get3A_2 : vector<1x10240x128xf32> to vector<10240x128xf32>
    %get3A_4 = arith.constant 1 : index
    %get3A_5 = arith.constant 0 : index
    %get3A_6 = arith.constant 0 : index
    %get3A_7 = vector.load %arg0[%get3A_4, %get3A_5, %get3A_6] : memref<2x10240x128xf32, #tpu.memory_space<vmem>>, vector<1x10240x128xf32>
    %get3A_8 = vector.shape_cast %get3A_7 : vector<1x10240x128xf32> to vector<10240x128xf32>
    %add3A = arith.addf %get3A_3, %get3A_8 : vector<10240x128xf32>
    %get3A_9 = arith.constant 0 : index
    %get3A_10 = arith.constant 0 : index
    %get3A_11 = arith.constant 0 : index
    %get3A_12 = vector.load %arg1[%get3A_9, %get3A_10, %get3A_11] : memref<2x10240x16xf32, #tpu.memory_space<vmem>>, vector<1x10240x16xf32>
    %get3A_13 = vector.shape_cast %get3A_12 : vector<1x10240x16xf32> to vector<10240x16xf32>
    %get3A_14 = arith.constant 1 : index
    %get3A_15 = arith.constant 0 : index
    %get3A_16 = arith.constant 0 : index
    %get3A_17 = vector.load %arg1[%get3A_14, %get3A_15, %get3A_16] : memref<2x10240x16xf32, #tpu.memory_space<vmem>>, vector<1x10240x16xf32>
    %get3A_18 = vector.shape_cast %get3A_17 : vector<1x10240x16xf32> to vector<10240x16xf32>
    %add3A_19 = arith.addf %get3A_13, %get3A_18 : vector<10240x16xf32>
    %slice3A = vector.extract_strided_slice %add3A_19 {offsets = [0, 0], sizes = [10240, 1], strides = [1, 1]} : vector<10240x16xf32> to vector<10240x1xf32>
    %max3A = arith.constant 1.000000e+00 : f32
    %max3A_20 = vector.broadcast %max3A : f32 to vector<10240x1xf32>
    %max3A_21 = arith.maximumf %slice3A, %max3A_20 : vector<10240x1xf32>
    %div3A = vector.broadcast %max3A_21 : vector<10240x1xf32> to vector<10240x128xf32>
    %div3A_22 = arith.divf %add3A, %div3A : vector<10240x128xf32>
    %get3A_23 = arith.constant 0 : index
    %get3A_24 = arith.constant 0 : index
    %get3A_25 = vector.load %arg2[%get3A_23, %get3A_24] : memref<10240x128xf32, #tpu.memory_space<vmem>>, vector<10240x128xf32>
    %add3A_26 = arith.addf %div3A_22, %get3A_25 : vector<10240x128xf32>
    %max3A_27 = arith.constant 0.000000e+00 : f32
    %max3A_28 = vector.broadcast %max3A_27 : f32 to vector<10240x128xf32>
    %max3A_29 = arith.maximumf %add3A_26, %max3A_28 : vector<10240x128xf32>
    %get3A_30 = arith.constant 0 : index
    %get3A_31 = arith.constant 0 : index
    %get3A_32 = vector.load %arg3[%get3A_30, %get3A_31] : memref<128x128xf32, #tpu.memory_space<vmem>>, vector<128x128xf32>
    %dot_general3A = arith.constant dense<0.000000e+00> : vector<10240x128xf32>
    %dot_general3A_33 = tpu.matmul %max3A_29, %get3A_32, %dot_general3A {dimension_numbers = #tpu.dot_dimension_numbers<[1], [0], [0], [1], [0, 0, 1, 1], [], []>, transpose_lhs_hint = false} : vector<10240x128xf32>, vector<128x128xf32>, vector<10240x128xf32> -> vector<10240x128xf32>
    %swap3A = arith.constant 0 : index
    %swap3A_34 = arith.constant 0 : index
    %swap3A_35 = vector.load %arg6[%swap3A, %swap3A_34] : memref<10240x128xf32, #tpu.memory_space<vmem>>, vector<10240x128xf32>
    tpu.vector_store %arg6[%swap3A, %swap3A_34], %dot_general3A_33 {strides = array<i32>} : memref<10240x128xf32, #tpu.memory_space<vmem>>, vector<10240x128xf32>,
    %get3A_36 = arith.constant 0 : index
    %get3A_37 = vector.load %arg4[%get3A_36] : memref<128xf32, #tpu.memory_space<vmem>>, vector<128xf32>
    %broadcast_in_dim3A = vector.shape_cast %get3A_37 : vector<128xf32> to vector<1x128xf32>
    %mul3A = vector.broadcast %broadcast_in_dim3A : vector<1x128xf32> to vector<10240x128xf32>
    %mul3A_38 = arith.mulf %dot_general3A_33, %mul3A : vector<10240x128xf32>
    %reduce_sum3A = arith.constant dense<0.000000e+00> : vector<10240xf32>
    %reduce_sum3A_39 = vector.multi_reduction <add>, %mul3A_38, %reduce_sum3A [1] : vector<10240x128xf32> to vector<10240xf32>
    %broadcast_in_dim3A_40 = vector.shape_cast %reduce_sum3A_39 : vector<10240xf32> to vector<10240x1xf32>
    %get3A_41 = arith.constant 0 : index
    %get3A_42 = vector.load %arg5[%get3A_41] : memref<128xf32, #tpu.memory_space<vmem>>, vector<128xf32>
    %broadcast_in_dim3A_43 = vector.shape_cast %get3A_42 : vector<128xf32> to vector<1x128xf32>
    %mul3A_44 = vector.broadcast %broadcast_in_dim3A_43 : vector<1x128xf32> to vector<10240x128xf32>
    %mul3A_45 = arith.mulf %dot_general3A_33, %mul3A_44 : vector<10240x128xf32>
    %reduce_sum3A_46 = arith.constant dense<0.000000e+00> : vector<10240xf32>
    %reduce_sum3A_47 = vector.multi_reduction <add>, %mul3A_45, %reduce_sum3A_46 [1] : vector<10240x128xf32> to vector<10240xf32>
    %broadcast_in_dim3A_48 = vector.shape_cast %reduce_sum3A_47 : vector<10240xf32> to vector<10240x1xf32>
    %iota3A = tpu.iota {dimensions = array<i32: 0>} : vector<10240x1xi32>
    %lt3A = arith.constant 10000 : i32
    %lt3A_49 = vector.broadcast %lt3A : i32 to vector<10240x1xi32>
    %lt3A_50 = arith.cmpi slt, %iota3A, %lt3A_49 : vector<10240x1xi32>
    %jit3A = arith.constant -3.000000e+38 : f32
    %broadcast_in_dim3A_51 = vector.broadcast %jit3A : f32 to vector<10240x1xf32>
    %select_n3A = arith.select %lt3A_50, %broadcast_in_dim3A_40, %broadcast_in_dim3A_51 : vector<10240x1xi1>, vector<10240x1xf32>
    %jit3A_52 = arith.constant -3.000000e+38 : f32
    %broadcast_in_dim3A_53 = vector.broadcast %jit3A_52 : f32 to vector<10240x1xf32>
    %select_n3A_54 = arith.select %lt3A_50, %broadcast_in_dim3A_48, %broadcast_in_dim3A_53 : vector<10240x1xi1>, vector<10240x1xf32>
    %swap3A_55 = arith.constant 0 : index
    %swap3A_56 = arith.constant 0 : index
    %swap3A_57 = vector.load %arg7[%swap3A_55, %swap3A_56] : memref<10240x1xf32, #tpu.memory_space<vmem>>, vector<10240x1xf32>
    tpu.vector_store %arg7[%swap3A_55, %swap3A_56], %select_n3A {strides = array<i32>} : memref<10240x1xf32, #tpu.memory_space<vmem>>, vector<10240x1xf32>,
    %swap3A_58 = arith.constant 0 : index
    %swap3A_59 = arith.constant 0 : index
    %swap3A_60 = vector.load %arg8[%swap3A_58, %swap3A_59] : memref<10240x1xf32, #tpu.memory_space<vmem>>, vector<10240x1xf32>
    tpu.vector_store %arg8[%swap3A_58, %swap3A_59], %select_n3A_54 {strides = array<i32>} : memref<10240x1xf32, #tpu.memory_space<vmem>>, vector<10240x1xf32>,
    %reduce_max3A = vector.shape_cast %select_n3A : vector<10240x1xf32> to vector<1x10240x1xf32>
    %reduce_max3A_61 = arith.constant dense<0xFF800000> : vector<1xf32>
    %reduce_max3A_62 = vector.multi_reduction <maximumf>, %reduce_max3A, %reduce_max3A_61 [1, 2] : vector<1x10240x1xf32> to vector<1xf32>
    %reduce_max3A_63 = vector.shape_cast %reduce_max3A_62 : vector<1xf32> to vector<1x1x1xf32>
    %reduce_max3A_64 = vector.extract %reduce_max3A_63[0, 0, 0] : f32 from vector<1x1x1xf32>
    %reduce_max3A_65 = vector.shape_cast %select_n3A_54 : vector<10240x1xf32> to vector<1x10240x1xf32>
    %reduce_max3A_66 = arith.constant dense<0xFF800000> : vector<1xf32>
    %reduce_max3A_67 = vector.multi_reduction <maximumf>, %reduce_max3A_65, %reduce_max3A_66 [1, 2] : vector<1x10240x1xf32> to vector<1xf32>
    %reduce_max3A_68 = vector.shape_cast %reduce_max3A_67 : vector<1xf32> to vector<1x1x1xf32>
    %reduce_max3A_69 = vector.extract %reduce_max3A_68[0, 0, 0] : f32 from vector<1x1x1xf32>
    %add3A_70 = arith.addf %reduce_max3A_64, %reduce_max3A_69 : f32
    %gt3A = arith.constant 0.000000e+00 : f32
    %gt3A_71 = arith.cmpf ogt, %add3A_70, %gt3A : f32
    %mul3A_72 = arith.constant 2.000000e-01 : f32
    %mul3A_73 = arith.mulf %mul3A_72, %add3A_70 : f32
    %select_n3A_74 = arith.select %gt3A_71, %add3A_70, %mul3A_73 : f32
    %broadcast_in_dim3A_75 = vector.broadcast %select_n3A_74 : f32 to vector<1x128xf32>
    %swap3A_76 = arith.constant 0 : index
    %swap3A_77 = arith.constant 0 : index
    %swap3A_78 = vector.load %arg9[%swap3A_76, %swap3A_77] : memref<1x128xf32, #tpu.memory_space<vmem>>, vector<1x128xf32>
    tpu.vector_store %arg9[%swap3A_76, %swap3A_77], %broadcast_in_dim3A_75 {strides = array<i32>} : memref<1x128xf32, #tpu.memory_space<vmem>>, vector<1x128xf32>,
    return
  }
}

module attributes {stable_mosaic.version = 14 : i64} {
  func.func @_fin_body(%arg0: memref<2x10240x128xf32, #tpu.memory_space<vmem>>, %arg1: memref<2x10240x16xf32, #tpu.memory_space<vmem>>, %arg2: memref<128xf32, #tpu.memory_space<vmem>>, %arg3: memref<10000x128xf32, #tpu.memory_space<vmem>>) attributes {dimension_semantics = [], scalar_prefetch = 0 : i64, scratch_operands = 0 : i64, tpu.core_type = #tpu.core_type<tc>} {
    %get3A = arith.constant 0 : index
    %get3A_0 = arith.constant 0 : index
    %get3A_1 = arith.constant 0 : index
    %get3A_2 = vector.load %arg0[%get3A, %get3A_0, %get3A_1] : memref<2x10240x128xf32, #tpu.memory_space<vmem>>, vector<1x10240x128xf32>
    %get3A_3 = vector.shape_cast %get3A_2 : vector<1x10240x128xf32> to vector<10240x128xf32>
    %get3A_4 = arith.constant 1 : index
    %get3A_5 = arith.constant 0 : index
    %get3A_6 = arith.constant 0 : index
    %get3A_7 = vector.load %arg0[%get3A_4, %get3A_5, %get3A_6] : memref<2x10240x128xf32, #tpu.memory_space<vmem>>, vector<1x10240x128xf32>
    %get3A_8 = vector.shape_cast %get3A_7 : vector<1x10240x128xf32> to vector<10240x128xf32>
    %add3A = arith.addf %get3A_3, %get3A_8 : vector<10240x128xf32>
    %get3A_9 = arith.constant 0 : index
    %get3A_10 = arith.constant 0 : index
    %get3A_11 = arith.constant 0 : index
    %get3A_12 = vector.load %arg1[%get3A_9, %get3A_10, %get3A_11] : memref<2x10240x16xf32, #tpu.memory_space<vmem>>, vector<1x10240x16xf32>
    %get3A_13 = vector.shape_cast %get3A_12 : vector<1x10240x16xf32> to vector<10240x16xf32>
    %get3A_14 = arith.constant 1 : index
    %get3A_15 = arith.constant 0 : index
    %get3A_16 = arith.constant 0 : index
    %get3A_17 = vector.load %arg1[%get3A_14, %get3A_15, %get3A_16] : memref<2x10240x16xf32, #tpu.memory_space<vmem>>, vector<1x10240x16xf32>
    %get3A_18 = vector.shape_cast %get3A_17 : vector<1x10240x16xf32> to vector<10240x16xf32>
    %add3A_19 = arith.addf %get3A_13, %get3A_18 : vector<10240x16xf32>
    %slice3A = vector.extract_strided_slice %add3A_19 {offsets = [0, 0], sizes = [10240, 1], strides = [1, 1]} : vector<10240x16xf32> to vector<10240x1xf32>
    %add3A_20 = arith.constant 1.000000e-16 : f32
    %add3A_21 = vector.broadcast %add3A_20 : f32 to vector<10240x1xf32>
    %add3A_22 = arith.addf %slice3A, %add3A_21 : vector<10240x1xf32>
    %div3A = vector.broadcast %add3A_22 : vector<10240x1xf32> to vector<10240x128xf32>
    %div3A_23 = arith.divf %add3A, %div3A : vector<10240x128xf32>
    %get3A_24 = arith.constant 0 : index
    %get3A_25 = vector.load %arg2[%get3A_24] : memref<128xf32, #tpu.memory_space<vmem>>, vector<128xf32>
    %broadcast_in_dim3A = vector.shape_cast %get3A_25 : vector<128xf32> to vector<1x128xf32>
    %add3A_26 = vector.broadcast %broadcast_in_dim3A : vector<1x128xf32> to vector<10240x128xf32>
    %add3A_27 = arith.addf %div3A_23, %add3A_26 : vector<10240x128xf32>
    %reduce_max3A = arith.constant dense<0xFF800000> : vector<10240xf32>
    %reduce_max3A_28 = vector.multi_reduction <maximumf>, %add3A_27, %reduce_max3A [1] : vector<10240x128xf32> to vector<10240xf32>
    %broadcast_in_dim3A_29 = vector.shape_cast %reduce_max3A_28 : vector<10240xf32> to vector<10240x1xf32>
    %sub3A = vector.broadcast %broadcast_in_dim3A_29 : vector<10240x1xf32> to vector<10240x128xf32>
    %sub3A_30 = arith.subf %add3A_27, %sub3A : vector<10240x128xf32>
    %exp3A = math.exp %sub3A_30 : vector<10240x128xf32>
    %reduce_sum3A = arith.constant dense<0.000000e+00> : vector<10240xf32>
    %reduce_sum3A_31 = vector.multi_reduction <add>, %exp3A, %reduce_sum3A [1] : vector<10240x128xf32> to vector<10240xf32>
    %broadcast_in_dim3A_32 = vector.shape_cast %reduce_sum3A_31 : vector<10240xf32> to vector<10240x1xf32>
    %log3A = math.log %broadcast_in_dim3A_32 : vector<10240x1xf32>
    %add3A_33 = arith.addf %log3A, %broadcast_in_dim3A_29 : vector<10240x1xf32>
    %sub3A_34 = vector.broadcast %add3A_33 : vector<10240x1xf32> to vector<10240x128xf32>
    %sub3A_35 = arith.subf %add3A_27, %sub3A_34 : vector<10240x128xf32>
    %slice3A_36 = vector.extract_strided_slice %sub3A_35 {offsets = [0, 0], sizes = [10000, 128], strides = [1, 1]} : vector<10240x128xf32> to vector<10000x128xf32>
    %swap3A = arith.constant 0 : index
    %swap3A_37 = arith.constant 0 : index
    %swap3A_38 = vector.load %arg3[%swap3A, %swap3A_37] : memref<10000x128xf32, #tpu.memory_space<vmem>>, vector<10000x128xf32>
    tpu.vector_store %arg3[%swap3A, %swap3A_37], %slice3A_36 {strides = array<i32>} : memref<10000x128xf32, #tpu.memory_space<vmem>>, vector<10000x128xf32>,
    return
  }
}

</mosaic_0001>

<sc_bundles>
// kernel: kernel.10.cloned.1.call-start
scs
__scs_entry_jumppad:
0x0: {  	(pc) =	sbr.rel $0x88, $3  }
0x1: {  	(tag) =	ssettag $0x0;
	lr =	simm.s32 $0x1  }
0x2: {  	[smem:$0x3F98] =	sst lr;
	_ =	strace $0xD0000000  }
0x3: {  	_ = 	snop  }
0x4: {  	_ = 	snop  }
0x5: {  	_ = 	snop  }
0x6: {  	_ = 	snop  }
0x7: {  	_ = 	snop  }
__scs_overlays_trampoline_lowered:
0x8: {  	[smem:$0x3FA7] =	sst s0  }
0x9: {  	[smem:$0x3FA8] =	sst s1  }
0xa: {  	[smem:$0x3FA9] =	sst s2  }
0xb: {  	[smem:$0x3FAA] =	sst s3  }
0xc: {  	[smem:$0x3FAB] =	sst s4  }
0xd: {  	[smem:$0x3FAC] =	sst s5  }
0xe: {  	[smem:$0x3FAD] =	sst s6  }
0xf: {  	[smem:$0x3FAE] =	sst s7  }
0x10: {  	[smem:$0x3FAF] =	sst s8  }
0x11: {  	[smem:$0x3FB0] =	sst s9;
	s0 =	simm.s32 @!p0 $0x0  }
0x12: {  	s1 =	sld [smem:$0x3F96];
	s0 =	simm.s32 @p0 $0x1  }
0x13: {  	[smem:$0x3FB1] =	sst s0;
	s0 =	simm.s32 @!p1 $0x0  }
0x14: {  	s2 =	sld [smem:$0x3F95];
	s0 =	simm.s32 @p1 $0x1  }
0x15: {  	[smem:$0x3FB2] =	sst s0;
	s0 =	simm.s32 @!p2 $0x0  }
0x16: {  	s3 =	sld [smem:$0x3FDB];
	s0 =	simm.s32 @p2 $0x1  }
0x17: {  	s4 =	simm.s32 $0x1BF5;
	[smem:$0x3FB4] =	sst s0  }
0x18: {  	s0 =	sld [smem:$0x3F97];
	_ =	swait.ge [sflag:s4], $0x0  }
0x19: {  	s7 =	sld [smem:$0x3F98]  }
0x1a: {  	s8 =	sadd.s32 $0xFFFFE003, lr  }
0x1b: {  	s9 =	sadd.s32 $0xFFFFFEF7, lr;
	s5 =	simm.s32 $0xFFFFFFFF;
	p2 =	slt.u32 s8, $0xFFFFF086  }
0x1c: {  	p1 =	slt.u32 s9, $0xF7A;
	s5 =	simm.s32 @!p2 $0x0  }
0x1d: {  	s5 =	simm.s32 @p1 $0x1;
	p0 =	seq.s32 s7, s2  }
0x1e: {  	s7 =	smul.u32 @!p0 $0xF7A, s2;
	p2 =	seq.s32 @!p0 s5, $0x0  }
0x1f: {  	s9 =	smul.u32 $0xF7A, s1;
	s8 =	simm.s32 @!p0 $0x1BF5;
	p2 =	por !p2, p0  }
0x20: {  	[sflag:s8] =	ssyncset.s32 @!p0 $0xFFFFF086;
	s6 =	sadd.s32 @!p0 s3, s7;
	s7 =	simm.s32 @!p0 $0x108  }
0x21: {  	s3 =	sadd.s32 s3, s9;
	s6 =	sadd.s32 @!p0 $0x88, s6;
	s7 =	simm.s32 @p2 $0x1082  }
0x22: {  	[simem:s7], [sflag:s8] =	dma.local @!p0 [hbm:s6], $0xF7A  }
0x23: {  	s9 =	sor.u32 $0xD0000000, s2;
	s6 =	simm.s32 $0x108;
	_ =	swait.ge @!p0 [sflag:s8], $0x0  }
0x24: {  	s3 =	sadd.s32 $0x88, s3;
	s6 =	simm.s32 @!p1 $0x1082;
	[sflag:s4] =	ssyncset.s32 $0xFFFFF086  }
0x25: {  	[simem:s6], [sflag:s4] =	dma.local [hbm:s3], $0xF7A  }
0x26: {  	[smem:$0x3F98] =	sst s1;
	(tag) =	ssettag s2;
	_ =	strace s9  }
0x27: {  	s1 =	sld [smem:$0x3FA8]  }
0x28: {  	s2 =	sld [smem:$0x3FA9]  }
0x29: {  	s4 =	sld [smem:$0x3FAB]  }
0x2a: {  	p0 =	seq.s32 s5, $0x0;
	s5 =	sld [smem:$0x3FAC]  }
0x2b: {  	s6 =	sld [smem:$0x3FAD]  }
0x2c: {  	s7 =	sld [smem:$0x3FAE]  }
0x2d: {  	s3 =	simm.s32 $0x108;
	s8 =	sld [smem:$0x3FAF]  }
0x2e: {  	s3 =	simm.s32 @!p0 $0x1082;
	s9 =	sld [smem:$0x3FB0]  }
0x2f: {  	lr =	sadd.s32 s0, s3;
	s0 =	sld [smem:$0x3FA7]  }
0x30: {  	s3 =	sld [smem:$0x3FAA]  }
0x31: {  	[smem:$0x3FB3] =	sst s10  }
0x32: {  	s10 =	sld [smem:$0x3FB1];
	_ =	sdelay $0x3  }
0x33: {  	p0 =	seq.s32 s10, $0x1;
	s10 =	sld [smem:$0x3FB3];
	_ =	sdelay $0x3  }
0x34: {  	[smem:$0x3FB3] =	sst s10  }
0x35: {  	s10 =	sld [smem:$0x3FB2];
	_ =	sdelay $0x3  }
0x36: {  	p1 =	seq.s32 s10, $0x1;
	s10 =	sld [smem:$0x3FB3];
	_ =	sdelay $0x3  }
0x37: {  	[smem:$0x3FB3] =	sst s10  }
0x38: {  	s10 =	sld [smem:$0x3FB4]  }
0x39: {  	_ = 	snop;
	(pc) =	sbr.ind lr, $3  }
0x3a: {  	_ = 	snop  }
0x3b: {  	_ = 	snop  }
0x3c: {  	p2 =	seq.s32 s10, $0x1;
	s10 =	sld [smem:$0x3FB3]  }
0x3d: {  	_ =	shalt  }
0x3e: {  	_ =	shalt  }
0x3f: {  	_ =	shalt  }
0x40: {  	_ =	shalt  }
0x41: {  	_ =	shalt  }
0x42: {  	_ =	shalt  }
0x43: {  	_ =	shalt  }
0x44: {  	_ =	shalt  }
0x45: {  	_ =	shalt  }
0x46: {  	_ =	shalt  }
0x47: {  	_ =	shalt  }
0x48: {  	_ =	shalt  }
0x49: {  	_ =	shalt  }
0x4a: {  	_ =	shalt  }
0x4b: {  	_ =	shalt  }
0x4c: {  	_ =	shalt  }
0x4d: {  	_ =	shalt  }
0x4e: {  	_ =	shalt  }
0x4f: {  	_ =	shalt  }
0x50: {  	_ =	shalt  }
0x51: {  	_ =	shalt  }
0x52: {  	_ =	shalt  }
0x53: {  	_ =	shalt  }
0x54: {  	_ =	shalt  }
0x55: {  	_ =	shalt  }
0x56: {  	_ =	shalt  }
0x57: {  	_ =	shalt  }
0x58: {  	_ =	shalt  }
0x59: {  	_ =	shalt  }
0x5a: {  	_ =	shalt  }
0x5b: {  	_ =	shalt  }
0x5c: {  	_ =	shalt  }
0x5d: {  	_ =	shalt  }
0x5e: {  	_ =	shalt  }
0x5f: {  	_ =	shalt  }
0x60: {  	_ =	shalt  }
0x61: {  	_ =	shalt  }
0x62: {  	_ =	shalt  }
0x63: {  	_ =	shalt  }
0x64: {  	_ =	shalt  }
0x65: {  	_ =	shalt  }
0x66: {  	_ =	shalt  }
0x67: {  	_ =	shalt  }
0x68: {  	_ =	shalt  }
0x69: {  	_ =	shalt  }
0x6a: {  	_ =	shalt  }
0x6b: {  	_ =	shalt  }
0x6c: {  	_ =	shalt  }
0x6d: {  	_ =	shalt  }
0x6e: {  	_ =	shalt  }
0x6f: {  	_ =	shalt  }
0x70: {  	_ =	shalt  }
0x71: {  	_ =	shalt  }
0x72: {  	_ =	shalt  }
0x73: {  	_ =	shalt  }
0x74: {  	_ =	shalt  }
0x75: {  	_ =	shalt  }
0x76: {  	_ =	shalt  }
0x77: {  	_ =	shalt  }
0x78: {  	_ =	shalt  }
0x79: {  	_ =	shalt  }
0x7a: {  	_ =	shalt  }
0x7b: {  	_ =	shalt  }
0x7c: {  	_ =	shalt  }
0x7d: {  	_ =	shalt  }
0x7e: {  	_ =	shalt  }
0x7f: {  	_ =	shalt  }
0x80: {  	_ =	shalt  }
0x81: {  	_ =	shalt  }
0x82: {  	_ =	shalt  }
0x83: {  	_ =	shalt  }
0x84: {  	_ =	shalt  }
0x85: {  	_ =	shalt  }
0x86: {  	_ =	shalt  }
0x87: {  	_ =	shalt  }
.Lfunc_end0:
.L_simem_size_0:
called_computation.1_lowered:
.L_overlay_start_0:
0x88: {  	s2 =	sld [smem:$0x3FD9]  }
0x89: {  	s3 =	sld [smem:$0x3FFE];
	_ =	sdelay $0x1  }
0x8a: {  	s1 =	srdreg.scid  }
0x8b: {  	s0 =	sand.u32 $0x1, s1  }
0x8c: {  	s17 =	sshll.u32 s0, $0xA;
	s2 =	sadd.s32 s3, s2  }
0x8d: {  	s2 =	sadd.s32 s2, s17  }
0x8e: {  	[smem:$0x3FBF] =	sst s2  }
0x8f: {  	_ = 	snop  }
0x90: {  	s2 =	sld [smem:$0x3FD0];
	(tm) =	ssettm $0x1  }
0x91: {  	s18 =	sld [smem:$0x3FFB];
	_ =	sdelay $0x3  }
0x92: {  	_ =	strace s18  }
0x93: {  	s3 =	sld [smem:$0x3FFC];
	_ =	sdelay $0x3  }
0x94: {  	_ =	strace s3  }
0x95: {  	s3 =	sld [smem:$0x3FFD];
	_ =	sdelay $0x3  }
0x96: {  	_ =	strace s3  }
0x97: {  	_ =	strace $0x8FFFFFFF  }
0x98: {  	s19 =	sld [smem:$0x3FDB];
	_ =	sdelay $0x1  }
0x99: {  	s4 =	simm.s32 $_scs_section_size  }
0x9a: {  	s5 =	simm.s32 $_size__tile_overlayer_lowered;
	s6 =	simm.s32 $_tile_overlayer_lowered  }
0x9b: {  	s22 =	simm.s32 $0x1BFF;
	s21 =	sshll.u32 s6, $0x1;
	s3 =	sadd.s32 s4, s19  }
0x9c: {  	s7 =	simm.s32 $0x0;
	s20 =	sshll.u32 s5, $0x1;
	s5 =	sadd.s32 s21, s3  }
0x9d: {  	[timem:s7], [sflag:s22] =	dma.local [hbm:s5], s20  }
0x9e: {  	_ =	swait.ge [sflag:s22], s20  }
0x9f: {  	s4 =	ssub.s32 $0x0, s20;
	[sflag:s22] =	ssyncset.done $0x0  }
0xa0: {  	[sflag:s22] =	ssyncadd.s32 s4;
	_ =	sdelay $0x1  }
0xa1: {  	s23 =	simm.s32 $0x1B8B  }
0xa2: {  	_ =	swait.ge [sflag:s23], $0x1  }
0xa3: {  	[sflag:s23] =	ssyncset.done $0x0  }
0xa4: {  	s25 =	simm.s32 $0x1B8E;
	s24 =	sld [smem:$0x3FFE];
	[sflag:s23] =	ssyncadd.s32 $0xFFFFFFFF  }
0xa5: {  	s26 =	simm.s32 $execute0_lowered;
	[smem:$0x3FD2] =	sst s25  }
0xa6: {  	s5 =	sshll.u32 s26, $0x1;
	_ =	strace $0x80000049;
	[dreg:$0x1] =	wrdreg $0xFFFFFFFF  }
0xa7: {  	s28 =	simm.s32 $_size_execute0_lowered;
	s3 =	sadd.s32 s3, s5;
	[dreg:$0x0] =	wrdreg $0x0  }
0xa8: {  	s5 =	sshll.u32 s28, $0x1;
	[dreg:$0x2] =	wrdreg s3  }
0xa9: {  	[dreg:$0x3] =	wrdreg s5  }
0xaa: {  	[dreg:$0x4] =	wrdreg $0xC0  }
0xab: {  	_ =	task [dreg:s7], $0x5FFFF  }
0xac: {  	[dreg:$0x1] =	wrdreg $0xFFFFFFFF  }
0xad: {  	[dreg:$0x0] =	wrdreg $0x60  }
0xae: {  	[dreg:$0x2] =	wrdreg s24  }
0xaf: {  	[dreg:$0x3] =	wrdreg s2  }
0xb0: {  	[dreg:$0x4] =	wrdreg $0x0  }
0xb1: {  	[dreg:$0x5] =	wrdreg $0x140000  }
0xb2: {  	[dreg:$0x6] =	wrdreg $0x9  }
0xb3: {  	_ =	task.clear_ibuf [dreg:s7], $0x7FFFF;
	_ =	strace $0x90000049  }
0xb4: {  	s29 =	simm.s32 $0x9;
	_ =	strace $0x8000004B  }
0xb5: {  	_ =	swait.ge [sflag:s29], $0x1  }
0xb6: {  	[sflag:s29] =	ssyncadd.s32 $0xFFFFFFFF  }
0xb7: {  	_ =	strace $0x9000004B  }
0xb8: {  	_ =	sfence  }
0xb9: {  	s30 =	sld [smem:$0x0];
	_ =	sdelay $0x2  }
0xba: {  	s31 =	sshll.u32 s1, $0xD;
	s1 =	sshrl.u32 s1, $0x2  }
0xbb: {  	s3 =	sand.u32 $0x4000, s31;
	s1 =	sadd.s32 s1, s30  }
0xbc: {  	s0 =	sor.u32 s3, s0;
	s1 =	sshll.u32 s1, $0x11  }
0xbd: {  	s0 =	sor.u32 s1, s0  }
0xbe: {  	s0 =	sadd.s32 $0x8F2B, s0  }
0xbf: {  	[sflag:s0] =	ssyncadd.remote.s32 $0x1  }
0xc0: {  	_ =	sfence.sel $0xFFFF  }
0xc1: {  	[dreg:$0x0] =	wrdreg $0xFFFFFFFF;
	(pc) =	sbr.abs _section_cstart, $3  }
0xc2: {  	[dreg:$0x1] =	wrdreg $0xFFFFFFFF  }
0xc3: {  	_ =	task.clear_ibuf [dreg:s7], $0x2FFFF;
	_ =	strace $0x9FFFFFFF  }
0xc4: {  	(tm) =	ssettm $0x7FFFFFFF  }
0xc5: {  	_ =	shalt  }
tec
execute0_lowered:
.L_overlay_start_1:
0x0: {  	(tag) =	ssettag $0x1  }
0x1: {  	s0 =	rddreg [dreg:$0x0]  }
0x2: {  	s1 =	rddreg [dreg:$0x1]  }
0x3: {  	s2 =	rddreg [dreg:$0x2]  }
0x4: {  	s4 =	rddreg [dreg:$0x3]  }
0x5: {  	s5 =	simm.s32 $0x0;
	s3 =	srdreg.scid;
	s17 =	stileid.u32  }
0x6: {  	s28 =	simm.s32 $0x1B280;
	s30 =	simm.s32 $0x16800;
	s31 =	simm.s32 $0x16880  }
0x7: {  	s29 =	simm.s32 $0x1;
	[smem:$0x7FF] =	sst s5;
	s9 =	smul.u32 $0x14000, s17  }
0x8: {  	s3 =	sand.u32 $0x1, s3;
	s6 =	sadd.s32 $0x1800, s0;
	s12 =	smul.u32 $0x2800, s17  }
0x9: {  	s7 =	sadd.s32 $0x2A000, s0;
	s8 =	sadd.s32 $0x29A00, s0;
	s16 =	smul.u32 $0x280, s17  }
0xa: {  	s24 =	sadd.s32 $0x29800, s0;
	_ =	strace $0x8000004A;
	s10 =	smul.u32 $0x140000, s3  }
0xb: {  	s13 =	smul.u32 $0x28000, s3;
	s26 =	ssub.s32 $0x2, s3;
	s3 =	sshll.u32 s3, $0x4  }
0xc: {  	[dreg:$0x5] =	wrdreg s24;
	s15 =	sshrl.u32 s26, $0x1;
	s3 =	sor.u32 s17, s3  }
0xd: {  	s18 =	sadd.s32 $0x80, s16;
	s20 =	sadd.s32 $0x100, s16;
	s22 =	sadd.s32 $0x180, s16  }
0xe: {  	s11 =	sadd.s32 s9, s10;
	s10 =	sadd.s32 $0x97400, s0;
	s25 =	sadd.s32 s12, s13  }
0xf: {  	s13 =	ssub.s32 s26, s15;
	s12 =	sadd.s32 s12, s4;
	s19 =	sshll.u32 s18, $0x7  }
0x10: {  	s21 =	sshll.u32 s20, $0x7;
	s23 =	sshll.u32 s22, $0x7;
	s11 =	sshrl.u32 s11, $0x3  }
0x11: {  	s24 =	sshll.u32 s22, $0x4;
	s15 =	sadd.s32 s19, s2;
	s14 =	sadd.s32 s11, s0  }
0x12: {  	s11 =	sshrl.u32 s25, $0x3;
	[dreg:$0x6] =	wrdreg s15;
	s15 =	sadd.s32 s21, s2  }
0x13: {  	s25 =	sadd.s32 $0x200, s16;
	s21 =	smul.u32 $0x2880, s3;
	s3 =	simm.s32 $0x16900  }
0x14: {  	s0 =	sadd.s32 s11, s0;
	s11 =	sadd.s32 s9, s2;
	s9 =	sshll.u32 s18, $0x4  }
0x15: {  	[dreg:$0x8] =	wrdreg s15;
	s26 =	sshll.u32 s25, $0x7;
	s9 =	sadd.s32 s9, s4  }
0x16: {  	s15 =	sshll.u32 s25, $0x4;
	[dreg:$0x7] =	wrdreg s9;
	s9 =	sshll.u32 s20, $0x4  }
0x17: {  	s22 =	sadd.s32 $0x34600, s14;
	s25 =	simm.s32 $0x17280;
	s9 =	sadd.s32 s9, s4  }
0x18: {  	s14 =	simm.s32 $0x16A80;
	s20 =	sadd.s32 s15, s4;
	[dreg:$0x9] =	wrdreg s9  }
0x19: {  	s9 =	sadd.s32 s23, s2;
	s23 =	sadd.s32 $0x2A600, s0;
	s0 =	simm.s32 $0x80  }
0x1a: {  	[dreg:$0xa] =	wrdreg s9;
	s9 =	sadd.s32 s24, s4;
	s24 =	smax.u32 s13, $0x1  }
0x1b: {  	s13 =	simm.s32 $0x16A00;
	[dreg:$0xb] =	wrdreg s9;
	s9 =	sadd.s32 s26, s2  }
0x1c: {  	v0 =	vimm.f32 $0.0e+00;
	s26 =	simm.s32 $0x2;
	[dreg:$0xc] =	wrdreg s9;
	s9 =	simm.s32 $0x16980  }
.LBB2_1:
0x1d: {  	s15 =	simm.s32 $0x0;
	s16 =	simm.s32 $0x200  }
.LBB2_2:
0x1e: {  	p0 =	sne.s32 s16, $0xFE00;
	[tilespmem:s15+$0x172F0] =	vst v0  }
0x1f: {  	[tilespmem:s15+$0x17280] =	vst v0  }
0x20: {  	[tilespmem:s15+$0x17290] =	vst v0  }
.Ltmp0:
0x21: {  	[tilespmem:s15+$0x172A0] =	vst v0;
	(pc) =	sbr.rel @p0 .LBB2_2-.Ltmp0, $4  }
0x22: {  	[tilespmem:s15+$0x172B0] =	vst v0  }
0x23: {  	[tilespmem:s15+$0x172C0] =	vst v0  }
0x24: {  	[tilespmem:s15+$0x172D0] =	vst v0  }
0x25: {  	[tilespmem:s15+$0x172E0] =	vst v0;
	s15 =	sshra.s32 s16, $0x2;
	s16 =	sadd.s32 $0x200, s16  }
0x26: {  	[tilespmem:s15+$0x172F0] =	vst v0  }
0x27: {  	[tilespmem:s15+$0x17280] =	vst v0  }
0x28: {  	[tilespmem:s15+$0x17290] =	vst v0  }
0x29: {  	[tilespmem:s15+$0x172A0] =	vst v0  }
0x2a: {  	[tilespmem:s15+$0x172B0] =	vst v0  }
0x2b: {  	[tilespmem:s15+$0x172C0] =	vst v0  }
0x2c: {  	[tilespmem:s15+$0x172D0] =	vst v0  }
0x2d: {  	[tilespmem:s15+$0x172E0] =	vst v0;
	s15 =	simm.s32 $0x40;
	s16 =	simm.s32 $0x0  }
.LBB2_4:
0x2e: {  	p0 =	sne.s32 s15, $0x1FC0;
	[tilespmem:s16+$0x1B280] =	vst v0;
	s16 =	smov.u32 s15;
	s15 =	sadd.s32 $0x40, s15  }
.Ltmp1:
0x2f: {  	(pc) =	sbr.rel @p0 .LBB2_4-.Ltmp1, $2  }
0x30: {  	_ =	sdelay $0x2  }
0x31: {  	s16 =	sshra.s32 s16, $0x2  }
0x32: {  	[tilespmem:s16+$0x1B280] =	vst v0  }
0x33: {  	[spmem:s11] =	stream.linear.scatter [tilespmem:s25], [sflag:$0x2], $0x4000, $0x38;
	[tilespmem:$0x1BA90] =	vst v63  }
0x34: {  	_ =	swait.ge [sflag:s26], $0x4000  }
0x35: {  	[sflag:s26] =	ssyncset.done $0x0  }
0x36: {  	[sflag:s26] =	ssyncadd.s32 $0xFFFFC000  }
0x37: {  	[spmem:s12] =	stream.linear.scatter [tilespmem:s28], [sflag:$0x2], $0x800, $0x38;
	[tilespmem:$0x1BA90] =	vst v63  }
0x38: {  	_ =	swait.ge [sflag:s26], $0x800  }
0x39: {  	[sflag:s26] =	ssyncset.done $0x0  }
0x3a: {  	s15 =	rddreg [dreg:$0x6];
	[sflag:s26] =	ssyncadd.s32 $0xFFFFF800  }
0x3b: {  	[spmem:s15] =	stream.linear.scatter [tilespmem:s25], [sflag:$0x2], $0x4000, $0x38;
	[tilespmem:$0x1BA90] =	vst v63  }
0x3c: {  	_ =	swait.ge [sflag:s26], $0x4000  }
0x3d: {  	[sflag:s26] =	ssyncset.done $0x0  }
0x3e: {  	s17 =	rddreg [dreg:$0x7];
	[sflag:s26] =	ssyncadd.s32 $0xFFFFC000  }
0x3f: {  	[spmem:s17] =	stream.linear.scatter [tilespmem:s28], [sflag:$0x2], $0x800, $0x38;
	[tilespmem:$0x1BA90] =	vst v63  }
0x40: {  	_ =	swait.ge [sflag:s26], $0x800  }
0x41: {  	[sflag:s26] =	ssyncset.done $0x0  }
0x42: {  	s18 =	rddreg [dreg:$0x8];
	[sflag:s26] =	ssyncadd.s32 $0xFFFFF800  }
0x43: {  	[spmem:s18] =	stream.linear.scatter [tilespmem:s25], [sflag:$0x2], $0x4000, $0x38;
	[tilespmem:$0x1BA90] =	vst v63  }
0x44: {  	_ =	swait.ge [sflag:s26], $0x4000  }
0x45: {  	[sflag:s26] =	ssyncset.done $0x0  }
0x46: {  	s19 =	rddreg [dreg:$0x9];
	[sflag:s26] =	ssyncadd.s32 $0xFFFFC000  }
0x47: {  	[spmem:s19] =	stream.linear.scatter [tilespmem:s28], [sflag:$0x2], $0x800, $0x38;
	[tilespmem:$0x1BA90] =	vst v63  }
0x48: {  	_ =	swait.ge [sflag:s26], $0x800  }
0x49: {  	[sflag:s26] =	ssyncset.done $0x0  }
0x4a: {  	s16 =	rddreg [dreg:$0xa];
	[sflag:s26] =	ssyncadd.s32 $0xFFFFF800  }
0x4b: {  	[spmem:s16] =	stream.linear.scatter [tilespmem:s25], [sflag:$0x2], $0x4000, $0x38;
	[tilespmem:$0x1BA90] =	vst v63  }
0x4c: {  	_ =	swait.ge [sflag:s26], $0x4000  }
0x4d: {  	[sflag:s26] =	ssyncset.done $0x0  }
0x4e: {  	s17 =	rddreg [dreg:$0xb];
	[sflag:s26] =	ssyncadd.s32 $0xFFFFC000  }
0x4f: {  	[spmem:s17] =	stream.linear.scatter [tilespmem:s28], [sflag:$0x2], $0x800, $0x38;
	[tilespmem:$0x1BA90] =	vst v63  }
0x50: {  	_ =	swait.ge [sflag:s26], $0x800  }
0x51: {  	[sflag:s26] =	ssyncset.done $0x0  }
0x52: {  	s18 =	rddreg [dreg:$0xc];
	[sflag:s26] =	ssyncadd.s32 $0xFFFFF800  }
0x53: {  	[spmem:s18] =	stream.linear.scatter [tilespmem:s25], [sflag:$0x2], $0x4000, $0x38;
	[tilespmem:$0x1BA90] =	vst v63  }
0x54: {  	_ =	swait.ge [sflag:s26], $0x4000  }
0x55: {  	[sflag:s26] =	ssyncset.done $0x0  }
0x56: {  	[sflag:s26] =	ssyncadd.s32 $0xFFFFC000  }
0x57: {  	[spmem:s20] =	stream.linear.scatter [tilespmem:s28], [sflag:$0x2], $0x800, $0x38;
	[tilespmem:$0x1BA90] =	vst v63  }
0x58: {  	_ =	swait.ge [sflag:s26], $0x800  }
0x59: {  	[sflag:s26] =	ssyncset.done $0x0  }
0x5a: {  	[sflag:s26] =	ssyncadd.s32 $0xFFFFF800  }
0x5b: {  	[bflag:$0x0] =	sbarrier.arrive $0xFFFF  }
0x5c: {  	s15 =	simm.s32 $0x0;
	s17 =	simm.s32 $0x1BA80;
	s19 =	rddreg [dreg:$0x5]  }
0x5d: {  	[tilespmem:s17], [sflag:$0x2] =	stream.linear.gather [hbm4b:s19+s15], $0x10, $0x38;
	[tilespmem:$0x1BA90] =	vst v63  }
0x5e: {  	_ =	swait.ge [sflag:s26], $0x10  }
0x5f: {  	[sflag:s26] =	ssyncset.done $0x0  }
0x60: {  	[sflag:s26] =	ssyncadd.s32 $0xFFFFFFF0  }
0x61: {  	s16 =	simm.s32 $0x0;
	v1 =	vld [tilespmem:$0x1BA80]  }
.LBB2_6:
0x62: {  	s17 =	sshll.u32 s16, $0x7  }
0x63: {  	s17 =	sadd.s32 s21, s17  }
0x64: {  	s17 =	sshrl.u32 s17, $0x3  }
0x65: {  	s18 =	sadd.s32 s1, s17  }
0x66: {  	[tilespmem:s30], [sflag:$0x2] =	stream.linear.gather [hbm4b:s18+s15], $0x80, $0x38;
	[tilespmem:$0x1BA90] =	vst v63  }
0x67: {  	_ =	swait.ge [sflag:s26], $0x80  }
0x68: {  	[sflag:s26] =	ssyncset.done $0x0  }
0x69: {  	s17 =	sadd.s32 s10, s17;
	[sflag:s26] =	ssyncadd.s32 $0xFFFFFF80  }
0x6a: {  	[tilespmem:s31], [sflag:$0x2] =	stream.linear.gather [hbm4b:s17+s15], $0x80, $0x38;
	[tilespmem:$0x1BA90] =	vst v63  }
0x6b: {  	_ =	swait.ge [sflag:s26], $0x80  }
0x6c: {  	[sflag:s26] =	ssyncset.done $0x0  }
0x6d: {  	[sflag:s26] =	ssyncadd.s32 $0xFFFFFF80  }
0x6e: {  	[tilespmem:s25], [sflag:$0x1] =	stream.indirect.gather [hbm4b:s6+s0], $0x80, s30, s0, $0xb8;
	[tilespmem:$0x1BA90] =	vst v63  }
0x6f: {  	_ =	swait.ge [sflag:s29], $0x4000  }
0x70: {  	[sflag:s29] =	ssyncset.done $0x0  }
0x71: {  	[sflag:s29] =	ssyncadd.s32 $0xFFFFC000  }
0x72: {  	[tilespmem:s3], [sflag:$0x1] =	stream.indirect.gather [hbm4b:s7+s0], $0x1, s30, s0, $0xb8;
	[tilespmem:$0x1BA90] =	vst v63  }
0x73: {  	_ =	swait.ge [sflag:s29], $0x80  }
0x74: {  	[sflag:s29] =	ssyncset.done $0x0  }
0x75: {  	[sflag:s29] =	ssyncadd.s32 $0xFFFFFF80  }
0x76: {  	[tilespmem:s9], [sflag:$0x1] =	stream.indirect.gather [hbm4b:s8+s0], $0x1, s31, s0, $0xb8;
	[tilespmem:$0x1BA90] =	vst v63  }
0x77: {  	_ =	swait.ge [sflag:s29], $0x80  }
0x78: {  	[sflag:s29] =	ssyncset.done $0x0  }
0x79: {  	[sflag:s29] =	ssyncadd.s32 $0xFFFFFF80  }
0x7a: {  	v2 =	vld [tilespmem:$0x16900]  }
0x7b: {  	v3 =	vld [tilespmem:$0x16980]  }
0x7c: {  	v4 =	vld [tilespmem:$0x16910]  }
0x7d: {  	v5 =	vld [tilespmem:$0x16990]  }
0x7e: {  	v6 =	vld [tilespmem:$0x16920]  }
0x7f: {  	v7 =	vld [tilespmem:$0x169A0];
	_ =	sdelay $0x1  }
0x80: {  	v8 =	vld [tilespmem:$0x169B0];
	v2 =	vadd.f32 v3, v2  }
0x81: {  	v3 =	vld [tilespmem:$0x16930]  }
0x82: {  	v10 =	vld [tilespmem:$0x16950];
	v4 =	vadd.f32 v5, v4;
	v9 =	vmul.f32 $2.000000030e-01, v2  }
0x83: {  	v61 =	vld [tilespmem:$0x169E0];
	v6 =	vadd.f32 v7, v6;
	vm0 =	vgt.f32 v2, $0.0e+00  }
0x84: {  	v5 =	vld [tilespmem:$0x16940];
	v60 =	vmul.f32 $2.000000030e-01, v4;
	v2 =	vsel vm0, v2, v9  }
0x85: {  	v7 =	vld [tilespmem:$0x169C0];
	vm9 =	vgt.f32 v4, $0.0e+00;
	v11 =	vmul.f32 $2.000000030e-01, v6;
	v2 =	vsub.f32 v2, v1  }
0x86: {  	vm10 =	vgt.f32 v6, $0.0e+00;
	v4 =	vsel vm9, v4, v60;
	v3 =	vadd.f32 v8, v3;
	v8 =	vld [tilespmem:$0x16960]  }
0x87: {  	v12 =	vld [tilespmem:$0x169D0];
	v6 =	vsel vm10, v6, v11;
	v4 =	vsub.f32 v4, v1;
	v2 =	vmul.f32 $1.442695020e+00, v2  }
0x88: {  	v13 =	vld [tilespmem:$0x16970];
	v6 =	vsub.f32 v6, v1;
	v62 =	vmul.f32 $2.000000030e-01, v3  }
0x89: {  	vm11 =	vgt.f32 v3, $0.0e+00;
	(erf) = vpow2.f32 v2;
	v2 =	vmul.f32 $1.442695020e+00, v4;
	v4 =	vld [tilespmem:$0x169F0]  }
0x8a: {  	v5 =	vadd.f32 v7, v5;
	v6 =	vmul.f32 $1.442695020e+00, v6;
	v3 =	vsel vm11, v3, v62  }
0x8b: {  	v7 =	vadd.f32 v61, v8;
	(erf) = vpow2.f32 v2;
	v2 =	vsub.f32 v3, v1  }
0x8c: {  	v3 =	vadd.f32 v12, v10;
	(erf) = vpow2.f32 v6;
	v6 =	vmul.f32 $2.000000030e-01, v5  }
0x8d: {  	vm12 =	vgt.f32 v5, $0.0e+00;
	v8 =	vmul.f32 $2.000000030e-01, v7  }
0x8e: {  	v5 =	vsel vm12, v5, v6;
	v6 =	vmul.f32 $2.000000030e-01, v3;
	v4 =	vadd.f32 v4, v13  }
0x8f: {  	vm14 =	vgt.f32 v7, $0.0e+00;
	v2 =	vmul.f32 $1.442695020e+00, v2;
	vm13 =	vgt.f32 v3, $0.0e+00  }
0x90: {  	v5 =	vsub.f32 v5, v1;
	v3 =	vsel vm13, v3, v6;
	v6 =	vmul.f32 $2.000000030e-01, v4  }
0x91: {  	v7 =	vsel vm14, v7, v8;
	vm15 =	vgt.f32 v4, $0.0e+00;
	v3 =	vsub.f32 v3, v1  }
0x92: {  	v7 =	vsub.f32 v7, v1;
	v5 =	vmul.f32 $1.442695020e+00, v5;
	v4 =	vsel vm15, v4, v6  }
0x93: {  	(erf) = vpow2.f32 v2;
	v2 =	vmul.f32 $1.442695020e+00, v3;
	v3 =	vsub.f32 v4, v1  }
0x94: {  	(erf) = vpow2.f32 v5;
	v4 =	vmul.f32 $1.442695020e+00, v7  }
0x95: {  	(erf) = vpow2.f32 v2;
	v2 =	vmul.f32 $1.442695020e+00, v3  }
0x96: {  	(erf) = vpow2.f32 v4  }
0x97: {  	(erf) = vpow2.f32 v2;
	_ =	sdelay $0x1  }
0x98: {  	v2 =	vpop (erf)  }
0x99: {  	v3 =	vpop (erf);
	[tilespmem:$0x16A00] =	vst v2  }
0x9a: {  	v2 =	vpop (erf);
	[tilespmem:$0x16A10] =	vst v3  }
0x9b: {  	v3 =	vpop (erf);
	[tilespmem:$0x16A20] =	vst v2  }
0x9c: {  	v2 =	vpop (erf);
	[tilespmem:$0x16A30] =	vst v3;
	v3 =	vmov s15  }
0x9d: {  	v4 =	vpop (erf);
	[tilespmem:$0x16A40] =	vst v2  }
0x9e: {  	v2 =	vpop (erf);
	[tilespmem:$0x16A50] =	vst v4  }
0x9f: {  	[tilespmem:$0x16A60] =	vst v2;
	v2 =	vpop (erf)  }
0xa0: {  	[tilespmem:$0x16A70] =	vst v2  }
0xa1: {  	v2 =	vld.idx.msk [tilespmem:v3+s13+$0x0], $0xffff;
	_ =	sdelay $0x3  }
0xa2: {  	s18 =	simm.s32 $0x16A80  }
0xa3: {  	s17 =	simm.s32 $0x172C0;
	[tilespmem:s18+$0x0] =	vst v2  }
0xa4: {  	v3 =	vld [tilespmem:s17+$0xFFFFFFC0]  }
0xa5: {  	v4 =	vld [tilespmem:s17+$0xFFFFFFD0];
	_ =	sdelay $0x1  }
0xa6: {  	v5 =	vld [tilespmem:s17+$0xFFFFFFE0]  }
0xa7: {  	v6 =	vld [tilespmem:s17+$0xFFFFFFF0]  }
0xa8: {  	v7 =	vld [tilespmem:s17+$0x0];
	v3 =	vmul.f32 v3, v2  }
0xa9: {  	v8 =	vld [tilespmem:s17+$0x10];
	v4 =	vmul.f32 v4, v2  }
0xaa: {  	[tilespmem:s17+$0xFFFFFFC0] =	vst v3;
	v3 =	vld [tilespmem:s17+$0x20]  }
0xab: {  	v5 =	vmul.f32 v5, v2;
	[tilespmem:s17+$0xFFFFFFD0] =	vst v4;
	v4 =	vld [tilespmem:s17+$0x30]  }
0xac: {  	v63 =	vmul.f32 v6, v2  }
0xad: {  	s19 =	simm.s32 $0x1;
	v6 =	vmul.f32 v7, v2;
	[tilespmem:s17+$0xFFFFFFE0] =	vst v5  }
0xae: {  	v7 =	vmul.f32 v8, v2;
	v5 =	vmov s19;
	s19 =	simm.s32 $0x2;
	[tilespmem:s17+$0xFFFFFFF0] =	vst v63  }
.LBB2_7:
0xaf: {  	p0 =	sne.s32 s19, $0x7F;
	[tilespmem:s17+$0x0] =	vst v6;
	v3 =	vmul.f32 v3, v2  }
0xb0: {  	[tilespmem:s17+$0x10] =	vst v7;
	v2 =	vmul.f32 v4, v2  }
0xb1: {  	[tilespmem:s17+$0x20] =	vst v3  }
0xb2: {  	[tilespmem:s17+$0x30] =	vst v2  }
0xb3: {  	v2 =	vld.idx.msk [tilespmem:v5+s13+$0x0], $0xffff;
	_ =	sdelay $0x4  }
0xb4: {  	s18 =	sadd.s32 $0x10, s18  }
0xb5: {  	s17 =	sadd.s32 $0x80, s17;
	[tilespmem:s18+$0x0] =	vst v2  }
0xb6: {  	v3 =	vld [tilespmem:s17+$0xFFFFFFC0]  }
0xb7: {  	v4 =	vld [tilespmem:s17+$0xFFFFFFD0]  }
0xb8: {  	v5 =	vld [tilespmem:s17+$0xFFFFFFE0]  }
0xb9: {  	v6 =	vld [tilespmem:s17+$0xFFFFFFF0]  }
0xba: {  	v7 =	vld [tilespmem:s17+$0x0]  }
0xbb: {  	v8 =	vmul.f32 v3, v2;
	v9 =	vld [tilespmem:s17+$0x10]  }
.Ltmp2:
0xbc: {  	v10 =	vmul.f32 v4, v2;
	v3 =	vld [tilespmem:s17+$0x20];
	(pc) =	sbr.rel @p0 .LBB2_7-.Ltmp2, $4  }
0xbd: {  	[tilespmem:s17+$0xFFFFFFC0] =	vst v8;
	v5 =	vmul.f32 v5, v2;
	v4 =	vld [tilespmem:s17+$0x30]  }
0xbe: {  	[tilespmem:s17+$0xFFFFFFD0] =	vst v10;
	v8 =	vmul.f32 v6, v2  }
0xbf: {  	[tilespmem:s17+$0xFFFFFFE0] =	vst v5;
	v6 =	vmul.f32 v7, v2  }
0xc0: {  	v5 =	vmov s19;
	s19 =	sadd.s32 $0x1, s19;
	[tilespmem:s17+$0xFFFFFFF0] =	vst v8;
	v7 =	vmul.f32 v9, v2  }
0xc1: {  	[tilespmem:s17+$0x0] =	vst v6;
	v3 =	vmul.f32 v3, v2  }
0xc2: {  	[tilespmem:s17+$0x10] =	vst v7;
	v2 =	vmul.f32 v4, v2  }
0xc3: {  	[tilespmem:s17+$0x20] =	vst v3  }
0xc4: {  	[tilespmem:s17+$0x30] =	vst v2  }
0xc5: {  	v2 =	vld.idx.msk [tilespmem:v5+s13+$0x0], $0xffff;
	_ =	sdelay $0x3  }
0xc6: {  	s18 =	sadd.s32 $0x10, s18  }
0xc7: {  	s19 =	sadd.s32 $0x80, s17;
	[tilespmem:s18+$0x0] =	vst v2  }
0xc8: {  	v3 =	vld [tilespmem:s19+$0xFFFFFFC0]  }
0xc9: {  	v59 =	vld [tilespmem:s19+$0xFFFFFFD0]  }
0xca: {  	v60 =	vld [tilespmem:s19+$0xFFFFFFE0]  }
0xcb: {  	v6 =	vld [tilespmem:s19+$0xFFFFFFF0]  }
0xcc: {  	v7 =	vld [tilespmem:s19+$0x0]  }
0xcd: {  	v8 =	vld [tilespmem:s19+$0x10];
	v3 =	vmul.f32 v3, v2  }
0xce: {  	v9 =	vld [tilespmem:s19+$0x20];
	v4 =	vmul.f32 v59, v2  }
0xcf: {  	v61 =	vld [tilespmem:s19+$0x30];
	[tilespmem:s19+$0xFFFFFFC0] =	vst v3;
	v3 =	vmul.f32 v60, v2  }
0xd0: {  	v62 =	vmul.f32 v6, v2;
	[tilespmem:s19+$0xFFFFFFD0] =	vst v4  }
0xd1: {  	[tilespmem:s19+$0xFFFFFFE0] =	vst v3;
	v3 =	vmul.f32 v7, v2  }
0xd2: {  	v63 =	vmul.f32 v8, v2;
	[tilespmem:s19+$0xFFFFFFF0] =	vst v62  }
0xd3: {  	[tilespmem:s19+$0x0] =	vst v3;
	v3 =	vmul.f32 v9, v2  }
0xd4: {  	[tilespmem:s19+$0x10] =	vst v63;
	v2 =	vmul.f32 v61, v2  }
0xd5: {  	[tilespmem:s19+$0x20] =	vst v3  }
0xd6: {  	[tilespmem:s19+$0x30] =	vst v2  }
0xd7: {  	[spmem:s2] =	stream.indirect.scatter.add.f32 [tilespmem:s25], [sflag:$0x2], $0x80, s31, s0, $0xb8;
	[tilespmem:$0x1BA90] =	vst v63  }
0xd8: {  	s16 =	sadd.s32 $0x1, s16;
	_ =	swait.ge [sflag:s26], $0x4000  }
0xd9: {  	p0 =	sne.s32 s16, $0x51;
	[sflag:s26] =	ssyncset.done $0x0  }
.Ltmp3:
0xda: {  	[sflag:s26] =	ssyncadd.s32 $0xFFFFC000;
	(pc) =	sbr.rel @p0 .LBB2_6-.Ltmp3, $4  }
0xdb: {  	[spmem:s4] =	stream.indirect.scatter.add.f32 [tilespmem:s14], [sflag:$0x2], $0x10, s31, s0, $0xb8;
	[tilespmem:$0x1BA90] =	vst v63  }
0xdc: {  	_ =	swait.ge [sflag:s26], $0x800  }
0xdd: {  	[sflag:s26] =	ssyncset.done $0x0  }
0xde: {  	[sflag:s26] =	ssyncadd.s32 $0xFFFFF800  }
0xdf: {  	s15 =	stileid.u32  }
0xe0: {  	s15 =	sshll.u32 s15, $0x6  }
0xe1: {  	[bflag:$0x0] =	sbarrier.arrive $0xFFFF;
	s16 =	sshrl.u32 s11, $0x3;
	s15 =	sor.u32 $0x1C02, s15  }
0xe2: {  	[hbm:s22], [sflag:s15] =	dma.local [spmem:s16], $0x2800  }
0xe3: {  	s5 =	sadd.s32 $0x1, s5;
	_ =	swait.ge [sflag:s26], $0x2800  }
0xe4: {  	p0 =	sne.s32 s5, s24;
	[sflag:s26] =	ssyncset.done $0x0  }
.Ltmp4:
0xe5: {  	s19 =	sshrl.u32 s12, $0x3;
	[sflag:s26] =	ssyncadd.s32 $0xFFFFD800;
	(pc) =	sbr.rel @p0 .LBB2_1-.Ltmp4, $4  }
0xe6: {  	[hbm:s23], [sflag:s15] =	dma.local [spmem:s19], $0x500  }
0xe7: {  	_ =	swait.ge [sflag:s26], $0x500  }
0xe8: {  	[sflag:s26] =	ssyncset.done $0x0  }
0xe9: {  	[sflag:s26] =	ssyncadd.s32 $0xFFFFFB00  }
0xea: {  	_ =	sfence.sel $0x180000  }
0xeb: {  	[bflag:$0x0] =	sbarrier.arrive $0xFFFF  }
0xec: {  	_ =	strace $0x9000004A  }
0xed: {  	s0 =	stileid.u32;
	[bflag:$0x2] =	sbarrier.arrive $0xFFFF  }
0xee: {  	p0 =	sne.s32 s0, $0x0;
	s0 =	rddreg [dreg:$0x4]  }
0xef: {  	s0 =	sadd.s32 @!p0 $0x100000, s0  }
0xf0: {  	[sflag:s0] =	ssyncadd.tile.s32 @!p0 $0x1;
	_ =	shalt  }
.Lfunc_end2:
_tile_overlayer_lowered:
.L_overlay_start_2:
0xf1: {  	(tag) =	ssettag $0x2  }
0xf2: {  	s0 =	rddreg [dreg:$0x0];
	s2 =	stileid.u32  }
0xf3: {  	s1 =	rddreg [dreg:$0x1];
	p0 =	sne.s32 s2, $0x0  }
0xf4: {  	s3 =	rddreg [dreg:$0x2];
	[bflag:$0x3] =	sbarrier.arrive $0xFFFF;
	s2 =	simm.s32 @!p0 $0x1C02  }
0xf5: {  	[timem:s3], [sflag:s2] =	dma.local @!p0 [hbm:s0], s1  }
0xf6: {  	s0 =	simm.s32 @!p0 $0x2  }
0xf7: {  	_ =	swait.ge @!p0 [sflag:s0], s1  }
0xf8: {  	s1 =	ssub.s32 @!p0 $0x0, s1;
	[sflag:s0] =	ssyncset.done @!p0 $0x0  }
0xf9: {  	[sflag:s0] =	ssyncadd.s32 @!p0 s1  }
0xfa: {  	[bflag:$0x3] =	sbarrier.arrive $0xFFFF  }
0xfb: {  	_ =	shalt  }

// kernel: kernel.7.cloned.1.call-start
scs
__scs_entry_jumppad:
0x0: {  	(pc) =	sbr.rel $0x88, $3  }
0x1: {  	(tag) =	ssettag $0x0;
	lr =	simm.s32 $0x1  }
0x2: {  	[smem:$0x3F98] =	sst lr;
	_ =	strace $0xD0000000  }
0x3: {  	_ = 	snop  }
0x4: {  	_ = 	snop  }
0x5: {  	_ = 	snop  }
0x6: {  	_ = 	snop  }
0x7: {  	_ = 	snop  }
__scs_overlays_trampoline_lowered:
0x8: {  	[smem:$0x3FA7] =	sst s0  }
0x9: {  	[smem:$0x3FA8] =	sst s1  }
0xa: {  	[smem:$0x3FA9] =	sst s2  }
0xb: {  	[smem:$0x3FAA] =	sst s3  }
0xc: {  	[smem:$0x3FAB] =	sst s4  }
0xd: {  	[smem:$0x3FAC] =	sst s5  }
0xe: {  	[smem:$0x3FAD] =	sst s6  }
0xf: {  	[smem:$0x3FAE] =	sst s7  }
0x10: {  	[smem:$0x3FAF] =	sst s8  }
0x11: {  	[smem:$0x3FB0] =	sst s9;
	s0 =	simm.s32 @!p0 $0x0  }
0x12: {  	s1 =	sld [smem:$0x3F96];
	s0 =	simm.s32 @p0 $0x1  }
0x13: {  	[smem:$0x3FB1] =	sst s0;
	s0 =	simm.s32 @!p1 $0x0  }
0x14: {  	s2 =	sld [smem:$0x3F95];
	s0 =	simm.s32 @p1 $0x1  }
0x15: {  	[smem:$0x3FB2] =	sst s0;
	s0 =	simm.s32 @!p2 $0x0  }
0x16: {  	s3 =	sld [smem:$0x3FDB];
	s0 =	simm.s32 @p2 $0x1  }
0x17: {  	s4 =	simm.s32 $0x1BF5;
	[smem:$0x3FB4] =	sst s0  }
0x18: {  	s0 =	sld [smem:$0x3F97];
	_ =	swait.ge [sflag:s4], $0x0  }
0x19: {  	s7 =	sld [smem:$0x3F98]  }
0x1a: {  	s8 =	sadd.s32 $0xFFFFE003, lr  }
0x1b: {  	s9 =	sadd.s32 $0xFFFFFEF7, lr;
	s5 =	simm.s32 $0xFFFFFFFF;
	p2 =	slt.u32 s8, $0xFFFFF086  }
0x1c: {  	p1 =	slt.u32 s9, $0xF7A;
	s5 =	simm.s32 @!p2 $0x0  }
0x1d: {  	s5 =	simm.s32 @p1 $0x1;
	p0 =	seq.s32 s7, s2  }
0x1e: {  	s7 =	smul.u32 @!p0 $0xF7A, s2;
	p2 =	seq.s32 @!p0 s5, $0x0  }
0x1f: {  	s9 =	smul.u32 $0xF7A, s1;
	s8 =	simm.s32 @!p0 $0x1BF5;
	p2 =	por !p2, p0  }
0x20: {  	[sflag:s8] =	ssyncset.s32 @!p0 $0xFFFFF086;
	s6 =	sadd.s32 @!p0 s3, s7;
	s7 =	simm.s32 @!p0 $0x108  }
0x21: {  	s3 =	sadd.s32 s3, s9;
	s6 =	sadd.s32 @!p0 $0x88, s6;
	s7 =	simm.s32 @p2 $0x1082  }
0x22: {  	[simem:s7], [sflag:s8] =	dma.local @!p0 [hbm:s6], $0xF7A  }
0x23: {  	s9 =	sor.u32 $0xD0000000, s2;
	s6 =	simm.s32 $0x108;
	_ =	swait.ge @!p0 [sflag:s8], $0x0  }
0x24: {  	s3 =	sadd.s32 $0x88, s3;
	s6 =	simm.s32 @!p1 $0x1082;
	[sflag:s4] =	ssyncset.s32 $0xFFFFF086  }
0x25: {  	[simem:s6], [sflag:s4] =	dma.local [hbm:s3], $0xF7A  }
0x26: {  	[smem:$0x3F98] =	sst s1;
	(tag) =	ssettag s2;
	_ =	strace s9  }
0x27: {  	s1 =	sld [smem:$0x3FA8]  }
0x28: {  	s2 =	sld [smem:$0x3FA9]  }
0x29: {  	s4 =	sld [smem:$0x3FAB]  }
0x2a: {  	p0 =	seq.s32 s5, $0x0;
	s5 =	sld [smem:$0x3FAC]  }
0x2b: {  	s6 =	sld [smem:$0x3FAD]  }
0x2c: {  	s7 =	sld [smem:$0x3FAE]  }
0x2d: {  	s3 =	simm.s32 $0x108;
	s8 =	sld [smem:$0x3FAF]  }
0x2e: {  	s3 =	simm.s32 @!p0 $0x1082;
	s9 =	sld [smem:$0x3FB0]  }
0x2f: {  	lr =	sadd.s32 s0, s3;
	s0 =	sld [smem:$0x3FA7]  }
0x30: {  	s3 =	sld [smem:$0x3FAA]  }
0x31: {  	[smem:$0x3FB3] =	sst s10  }
0x32: {  	s10 =	sld [smem:$0x3FB1];
	_ =	sdelay $0x3  }
0x33: {  	p0 =	seq.s32 s10, $0x1;
	s10 =	sld [smem:$0x3FB3];
	_ =	sdelay $0x3  }
0x34: {  	[smem:$0x3FB3] =	sst s10  }
0x35: {  	s10 =	sld [smem:$0x3FB2];
	_ =	sdelay $0x3  }
0x36: {  	p1 =	seq.s32 s10, $0x1;
	s10 =	sld [smem:$0x3FB3];
	_ =	sdelay $0x3  }
0x37: {  	[smem:$0x3FB3] =	sst s10  }
0x38: {  	s10 =	sld [smem:$0x3FB4]  }
0x39: {  	_ = 	snop;
	(pc) =	sbr.ind lr, $3  }
0x3a: {  	_ = 	snop  }
0x3b: {  	_ = 	snop  }
0x3c: {  	p2 =	seq.s32 s10, $0x1;
	s10 =	sld [smem:$0x3FB3]  }
0x3d: {  	_ =	shalt  }
0x3e: {  	_ =	shalt  }
0x3f: {  	_ =	shalt  }
0x40: {  	_ =	shalt  }
0x41: {  	_ =	shalt  }
0x42: {  	_ =	shalt  }
0x43: {  	_ =	shalt  }
0x44: {  	_ =	shalt  }
0x45: {  	_ =	shalt  }
0x46: {  	_ =	shalt  }
0x47: {  	_ =	shalt  }
0x48: {  	_ =	shalt  }
0x49: {  	_ =	shalt  }
0x4a: {  	_ =	shalt  }
0x4b: {  	_ =	shalt  }
0x4c: {  	_ =	shalt  }
0x4d: {  	_ =	shalt  }
0x4e: {  	_ =	shalt  }
0x4f: {  	_ =	shalt  }
0x50: {  	_ =	shalt  }
0x51: {  	_ =	shalt  }
0x52: {  	_ =	shalt  }
0x53: {  	_ =	shalt  }
0x54: {  	_ =	shalt  }
0x55: {  	_ =	shalt  }
0x56: {  	_ =	shalt  }
0x57: {  	_ =	shalt  }
0x58: {  	_ =	shalt  }
0x59: {  	_ =	shalt  }
0x5a: {  	_ =	shalt  }
0x5b: {  	_ =	shalt  }
0x5c: {  	_ =	shalt  }
0x5d: {  	_ =	shalt  }
0x5e: {  	_ =	shalt  }
0x5f: {  	_ =	shalt  }
0x60: {  	_ =	shalt  }
0x61: {  	_ =	shalt  }
0x62: {  	_ =	shalt  }
0x63: {  	_ =	shalt  }
0x64: {  	_ =	shalt  }
0x65: {  	_ =	shalt  }
0x66: {  	_ =	shalt  }
0x67: {  	_ =	shalt  }
0x68: {  	_ =	shalt  }
0x69: {  	_ =	shalt  }
0x6a: {  	_ =	shalt  }
0x6b: {  	_ =	shalt  }
0x6c: {  	_ =	shalt  }
0x6d: {  	_ =	shalt  }
0x6e: {  	_ =	shalt  }
0x6f: {  	_ =	shalt  }
0x70: {  	_ =	shalt  }
0x71: {  	_ =	shalt  }
0x72: {  	_ =	shalt  }
0x73: {  	_ =	shalt  }
0x74: {  	_ =	shalt  }
0x75: {  	_ =	shalt  }
0x76: {  	_ =	shalt  }
0x77: {  	_ =	shalt  }
0x78: {  	_ =	shalt  }
0x79: {  	_ =	shalt  }
0x7a: {  	_ =	shalt  }
0x7b: {  	_ =	shalt  }
0x7c: {  	_ =	shalt  }
0x7d: {  	_ =	shalt  }
0x7e: {  	_ =	shalt  }
0x7f: {  	_ =	shalt  }
0x80: {  	_ =	shalt  }
0x81: {  	_ =	shalt  }
0x82: {  	_ =	shalt  }
0x83: {  	_ =	shalt  }
0x84: {  	_ =	shalt  }
0x85: {  	_ =	shalt  }
0x86: {  	_ =	shalt  }
0x87: {  	_ =	shalt  }
.Lfunc_end0:
.L_simem_size_0:
called_computation_lowered:
.L_overlay_start_0:
0x88: {  	s2 =	sld [smem:$0x3FD9]  }
0x89: {  	s3 =	sld [smem:$0x3FFE];
	_ =	sdelay $0x1  }
0x8a: {  	s1 =	srdreg.scid  }
0x8b: {  	s0 =	sand.u32 $0x1, s1  }
0x8c: {  	s16 =	sshll.u32 s0, $0xA;
	s2 =	sadd.s32 s3, s2  }
0x8d: {  	s2 =	sadd.s32 s2, s16  }
0x8e: {  	[smem:$0x3FBF] =	sst s2  }
0x8f: {  	_ = 	snop  }
0x90: {  	(tm) =	ssettm $0x1  }
0x91: {  	s17 =	sld [smem:$0x3FFB];
	_ =	sdelay $0x3  }
0x92: {  	_ =	strace s17  }
0x93: {  	s2 =	sld [smem:$0x3FFC];
	_ =	sdelay $0x3  }
0x94: {  	_ =	strace s2  }
0x95: {  	s2 =	sld [smem:$0x3FFD];
	_ =	sdelay $0x3  }
0x96: {  	_ =	strace s2  }
0x97: {  	_ =	strace $0x8FFFFFFF  }
0x98: {  	s18 =	sld [smem:$0x3FDB];
	_ =	sdelay $0x1  }
0x99: {  	s19 =	simm.s32 $_scs_section_size  }
0x9a: {  	s4 =	simm.s32 $_size__tile_overlayer_lowered;
	s5 =	simm.s32 $_tile_overlayer_lowered  }
0x9b: {  	s22 =	simm.s32 $0x1BFF;
	s21 =	sshll.u32 s5, $0x1;
	s2 =	sadd.s32 s19, s18  }
0x9c: {  	s6 =	simm.s32 $0x0;
	s20 =	sshll.u32 s4, $0x1;
	s4 =	sadd.s32 s21, s2  }
0x9d: {  	[timem:s6], [sflag:s22] =	dma.local [hbm:s4], s20  }
0x9e: {  	_ =	swait.ge [sflag:s22], s20  }
0x9f: {  	s3 =	ssub.s32 $0x0, s20;
	[sflag:s22] =	ssyncset.done $0x0  }
0xa0: {  	[sflag:s22] =	ssyncadd.s32 s3;
	_ =	sdelay $0x1  }
0xa1: {  	s23 =	simm.s32 $0x1B8B  }
0xa2: {  	_ =	swait.ge [sflag:s23], $0x1  }
0xa3: {  	[sflag:s23] =	ssyncset.done $0x0  }
0xa4: {  	s25 =	simm.s32 $0x1B8E;
	s24 =	sld [smem:$0x3FFE];
	[sflag:s23] =	ssyncadd.s32 $0xFFFFFFFF  }
0xa5: {  	s26 =	simm.s32 $execute0_lowered;
	[smem:$0x3FD2] =	sst s25  }
0xa6: {  	s4 =	sshll.u32 s26, $0x1;
	_ =	strace $0x80000046;
	[dreg:$0x1] =	wrdreg $0xFFFFFFFF  }
0xa7: {  	s28 =	simm.s32 $_size_execute0_lowered;
	s2 =	sadd.s32 s2, s4;
	[dreg:$0x0] =	wrdreg $0x0  }
0xa8: {  	s4 =	sshll.u32 s28, $0x1;
	[dreg:$0x2] =	wrdreg s2  }
0xa9: {  	[dreg:$0x3] =	wrdreg s4  }
0xaa: {  	[dreg:$0x4] =	wrdreg $0xC0  }
0xab: {  	_ =	task [dreg:s6], $0x5FFFF  }
0xac: {  	[dreg:$0x1] =	wrdreg $0xFFFFFFFF  }
0xad: {  	[dreg:$0x0] =	wrdreg $0x60  }
0xae: {  	[dreg:$0x2] =	wrdreg s24  }
0xaf: {  	[dreg:$0x3] =	wrdreg $0x0  }
0xb0: {  	[dreg:$0x4] =	wrdreg $0x140000  }
0xb1: {  	[dreg:$0x5] =	wrdreg $0x9  }
0xb2: {  	_ =	task.clear_ibuf [dreg:s6], $0x6FFFF;
	_ =	strace $0x90000046  }
0xb3: {  	s29 =	simm.s32 $0x9;
	_ =	strace $0x80000048  }
0xb4: {  	_ =	swait.ge [sflag:s29], $0x1  }
0xb5: {  	[sflag:s29] =	ssyncadd.s32 $0xFFFFFFFF  }
0xb6: {  	_ =	strace $0x90000048  }
0xb7: {  	_ =	sfence  }
0xb8: {  	s30 =	sld [smem:$0x0];
	_ =	sdelay $0x2  }
0xb9: {  	s31 =	sshll.u32 s1, $0xD;
	s1 =	sshrl.u32 s1, $0x2  }
0xba: {  	s3 =	sand.u32 $0x4000, s31;
	s1 =	sadd.s32 s1, s30  }
0xbb: {  	s0 =	sor.u32 s3, s0;
	s1 =	sshll.u32 s1, $0x11  }
0xbc: {  	s0 =	sor.u32 s1, s0  }
0xbd: {  	s0 =	sadd.s32 $0x8F2B, s0  }
0xbe: {  	[sflag:s0] =	ssyncadd.remote.s32 $0x1  }
0xbf: {  	_ =	sfence.sel $0xFFFF  }
0xc0: {  	[dreg:$0x0] =	wrdreg $0xFFFFFFFF;
	(pc) =	sbr.abs _section_cstart, $3  }
0xc1: {  	[dreg:$0x1] =	wrdreg $0xFFFFFFFF  }
0xc2: {  	_ =	task.clear_ibuf [dreg:s6], $0x2FFFF;
	_ =	strace $0x9FFFFFFF  }
0xc3: {  	(tm) =	ssettm $0x7FFFFFFF  }
tec
execute0_lowered:
.L_overlay_start_1:
0x0: {  	(tag) =	ssettag $0x1  }
0x1: {  	s14 =	stileid.u32  }
0x2: {  	s0 =	srdreg.scid;
	s7 =	smul.u32 $0x2780, s14  }
0x3: {  	s1 =	rddreg [dreg:$0x0];
	s8 =	smul.u32 $0x14000, s14  }
0x4: {  	s2 =	rddreg [dreg:$0x1];
	s15 =	smul.u32 $0x2800, s14  }
0x5: {  	s3 =	rddreg [dreg:$0x2];
	s6 =	sand.u32 $0x1, s0;
	s12 =	smul.u32 $0x280, s14  }
0x6: {  	s4 =	simm.s32 $0x0;
	s28 =	simm.s32 $0x1;
	s5 =	smul.u32 $0x27800, s6  }
0x7: {  	s29 =	simm.s32 $0x1B100;
	s30 =	simm.s32 $0x0;
	s9 =	smul.u32 $0x140000, s6  }
0x8: {  	[smem:$0x7FF] =	sst s4;
	s11 =	smul.u32 $0x28000, s6;
	s6 =	ssub.s32 $0x2, s6  }
0x9: {  	_ =	strace $0x80000047;
	s18 =	sshrl.u32 s6, $0x1;
	s19 =	sadd.s32 $0x80, s12  }
0xa: {  	s23 =	sadd.s32 $0x100, s12;
	s13 =	sadd.s32 $0x180, s12;
	s5 =	sadd.s32 s7, s5  }
0xb: {  	s9 =	sadd.s32 s8, s9;
	s17 =	sadd.s32 s15, s11;
	s18 =	ssub.s32 s6, s18  }
0xc: {  	s6 =	sadd.s32 s8, s2;
	s7 =	sadd.s32 s15, s3;
	s21 =	sshll.u32 s19, $0x7  }
0xd: {  	s22 =	sshll.u32 s19, $0x4;
	s26 =	sshll.u32 s23, $0x7;
	s11 =	sshll.u32 s23, $0x4  }
0xe: {  	s14 =	sshll.u32 s13, $0x7;
	s15 =	sadd.s32 $0x200, s12;
	s13 =	sshll.u32 s13, $0x4  }
0xf: {  	s23 =	simm.s32 $0x1A900;
	s10 =	sshrl.u32 s5, $0x3;
	s5 =	sadd.s32 $0x15400, s1  }
0x10: {  	s9 =	sshrl.u32 s9, $0x3;
	s24 =	sadd.s32 s21, s2;
	s25 =	sadd.s32 s22, s3  }
0x11: {  	s11 =	sadd.s32 s11, s3;
	s12 =	sadd.s32 s14, s2;
	s31 =	sshll.u32 s15, $0x7  }
0x12: {  	s13 =	sadd.s32 s13, s3;
	s15 =	sshll.u32 s15, $0x4;
	s18 =	smax.u32 s18, $0x1  }
0x13: {  	s21 =	simm.s32 $0x16900;
	s22 =	simm.s32 $0x2;
	s20 =	sadd.s32 s10, s1  }
0x14: {  	s10 =	sshrl.u32 s17, $0x3;
	s16 =	sadd.s32 s9, s1;
	[dreg:$0x4] =	wrdreg s24  }
0x15: {  	[dreg:$0x5] =	wrdreg s25;
	s14 =	sadd.s32 s31, s2;
	s15 =	sadd.s32 s15, s3  }
0x16: {  	s24 =	simm.s32 $0x16800;
	s25 =	simm.s32 $0x16880;
	s1 =	sadd.s32 s10, s1  }
0x17: {  	s10 =	sadd.s32 s26, s2;
	s16 =	sadd.s32 $0x47400, s16;
	s19 =	sadd.s32 $0x1800, s20  }
0x18: {  	v0 =	vimm.f32 $0.0e+00;
	v1 =	vimm.f32 $1.000000000e+00;
	s20 =	sadd.s32 $0xB600, s20;
	s26 =	simm.s32 $0x80;
	s17 =	sadd.s32 $0x3D400, s1  }
.LBB2_1:
0x19: {  	s31 =	simm.s32 $0x0;
	s1 =	simm.s32 $0x200  }
.LBB2_2:
0x1a: {  	p0 =	sne.s32 s1, $0xFE00;
	[tilespmem:s31+$0x16970] =	vst v0  }
0x1b: {  	[tilespmem:s31+$0x16900] =	vst v0  }
0x1c: {  	[tilespmem:s31+$0x16910] =	vst v0  }
.Ltmp0:
0x1d: {  	[tilespmem:s31+$0x16920] =	vst v0;
	(pc) =	sbr.rel @p0 .LBB2_2-.Ltmp0, $4  }
0x1e: {  	[tilespmem:s31+$0x16930] =	vst v0  }
0x1f: {  	[tilespmem:s31+$0x16940] =	vst v0  }
0x20: {  	[tilespmem:s31+$0x16950] =	vst v0  }
0x21: {  	[tilespmem:s31+$0x16960] =	vst v0;
	s31 =	sshra.s32 s1, $0x2;
	s1 =	sadd.s32 $0x200, s1  }
0x22: {  	[tilespmem:s31+$0x16970] =	vst v0  }
0x23: {  	[tilespmem:s31+$0x16900] =	vst v0  }
0x24: {  	[tilespmem:s31+$0x16910] =	vst v0  }
0x25: {  	[tilespmem:s31+$0x16920] =	vst v0  }
0x26: {  	[tilespmem:s31+$0x16930] =	vst v0  }
0x27: {  	[tilespmem:s31+$0x16940] =	vst v0  }
0x28: {  	[tilespmem:s31+$0x16950] =	vst v0  }
0x29: {  	[tilespmem:s31+$0x16960] =	vst v0;
	s1 =	simm.s32 $0x40;
	s31 =	simm.s32 $0x0  }
.LBB2_4:
0x2a: {  	p0 =	sne.s32 s1, $0x1FC0;
	[tilespmem:s31+$0x1A900] =	vst v0;
	s31 =	smov.u32 s1;
	s1 =	sadd.s32 $0x40, s1  }
.Ltmp1:
0x2b: {  	(pc) =	sbr.rel @p0 .LBB2_4-.Ltmp1, $2  }
0x2c: {  	_ =	sdelay $0x2  }
0x2d: {  	s31 =	sshra.s32 s31, $0x2  }
0x2e: {  	[tilespmem:s31+$0x1A900] =	vst v0;
	s1 =	simm.s32 $0x40;
	s31 =	simm.s32 $0x0  }
.LBB2_6:
0x2f: {  	p0 =	sne.s32 s1, $0x1FC0;
	[tilespmem:s31+$0x1B100] =	vst v1;
	s31 =	smov.u32 s1;
	s1 =	sadd.s32 $0x40, s1  }
.Ltmp2:
0x30: {  	(pc) =	sbr.rel @p0 .LBB2_6-.Ltmp2, $2  }
0x31: {  	_ =	sdelay $0x2  }
0x32: {  	s31 =	sshra.s32 s31, $0x2  }
0x33: {  	[tilespmem:s31+$0x1B100] =	vst v1  }
0x34: {  	[spmem:s6] =	stream.linear.scatter [tilespmem:s21], [sflag:$0x2], $0x4000, $0x38;
	[tilespmem:$0x1B900] =	vst v63  }
0x35: {  	_ =	swait.ge [sflag:s22], $0x4000  }
0x36: {  	[sflag:s22] =	ssyncset.done $0x0  }
0x37: {  	[sflag:s22] =	ssyncadd.s32 $0xFFFFC000  }
0x38: {  	[spmem:s7] =	stream.linear.scatter [tilespmem:s23], [sflag:$0x2], $0x800, $0x38;
	[tilespmem:$0x1B900] =	vst v63  }
0x39: {  	_ =	swait.ge [sflag:s22], $0x800  }
0x3a: {  	[sflag:s22] =	ssyncset.done $0x0  }
0x3b: {  	s0 =	rddreg [dreg:$0x4];
	[sflag:s22] =	ssyncadd.s32 $0xFFFFF800  }
0x3c: {  	[spmem:s0] =	stream.linear.scatter [tilespmem:s21], [sflag:$0x2], $0x4000, $0x38;
	[tilespmem:$0x1B900] =	vst v63  }
0x3d: {  	_ =	swait.ge [sflag:s22], $0x4000  }
0x3e: {  	[sflag:s22] =	ssyncset.done $0x0  }
0x3f: {  	s8 =	rddreg [dreg:$0x5];
	[sflag:s22] =	ssyncadd.s32 $0xFFFFC000  }
0x40: {  	[spmem:s8] =	stream.linear.scatter [tilespmem:s23], [sflag:$0x2], $0x800, $0x38;
	[tilespmem:$0x1B900] =	vst v63  }
0x41: {  	_ =	swait.ge [sflag:s22], $0x800  }
0x42: {  	[sflag:s22] =	ssyncset.done $0x0  }
0x43: {  	[sflag:s22] =	ssyncadd.s32 $0xFFFFF800  }
0x44: {  	[spmem:s10] =	stream.linear.scatter [tilespmem:s21], [sflag:$0x2], $0x4000, $0x38;
	[tilespmem:$0x1B900] =	vst v63  }
0x45: {  	_ =	swait.ge [sflag:s22], $0x4000  }
0x46: {  	[sflag:s22] =	ssyncset.done $0x0  }
0x47: {  	[sflag:s22] =	ssyncadd.s32 $0xFFFFC000  }
0x48: {  	[spmem:s11] =	stream.linear.scatter [tilespmem:s23], [sflag:$0x2], $0x800, $0x38;
	[tilespmem:$0x1B900] =	vst v63  }
0x49: {  	_ =	swait.ge [sflag:s22], $0x800  }
0x4a: {  	[sflag:s22] =	ssyncset.done $0x0  }
0x4b: {  	[sflag:s22] =	ssyncadd.s32 $0xFFFFF800  }
0x4c: {  	[spmem:s12] =	stream.linear.scatter [tilespmem:s21], [sflag:$0x2], $0x4000, $0x38;
	[tilespmem:$0x1B900] =	vst v63  }
0x4d: {  	_ =	swait.ge [sflag:s22], $0x4000  }
0x4e: {  	[sflag:s22] =	ssyncset.done $0x0  }
0x4f: {  	[sflag:s22] =	ssyncadd.s32 $0xFFFFC000  }
0x50: {  	[spmem:s13] =	stream.linear.scatter [tilespmem:s23], [sflag:$0x2], $0x800, $0x38;
	[tilespmem:$0x1B900] =	vst v63  }
0x51: {  	_ =	swait.ge [sflag:s22], $0x800  }
0x52: {  	[sflag:s22] =	ssyncset.done $0x0  }
0x53: {  	[sflag:s22] =	ssyncadd.s32 $0xFFFFF800  }
0x54: {  	[spmem:s14] =	stream.linear.scatter [tilespmem:s21], [sflag:$0x2], $0x4000, $0x38;
	[tilespmem:$0x1B900] =	vst v63  }
0x55: {  	_ =	swait.ge [sflag:s22], $0x4000  }
0x56: {  	[sflag:s22] =	ssyncset.done $0x0  }
0x57: {  	[sflag:s22] =	ssyncadd.s32 $0xFFFFC000  }
0x58: {  	[spmem:s15] =	stream.linear.scatter [tilespmem:s23], [sflag:$0x2], $0x800, $0x38;
	[tilespmem:$0x1B900] =	vst v63  }
0x59: {  	_ =	swait.ge [sflag:s22], $0x800  }
0x5a: {  	[sflag:s22] =	ssyncset.done $0x0  }
0x5b: {  	[sflag:s22] =	ssyncadd.s32 $0xFFFFF800  }
0x5c: {  	s1 =	sadd.s32 $0x0, s20;
	[bflag:$0x0] =	sbarrier.arrive $0xFFFF  }
0x5d: {  	[tilespmem:s24], [sflag:$0x2] =	stream.linear.gather [hbm4b:s1+s4], $0x80, $0x38;
	[tilespmem:$0x1B900] =	vst v63  }
0x5e: {  	_ =	swait.ge [sflag:s22], $0x80  }
0x5f: {  	[sflag:s22] =	ssyncset.done $0x0  }
0x60: {  	s9 =	sadd.s32 $0x0, s19;
	[sflag:s22] =	ssyncadd.s32 $0xFFFFFF80  }
0x61: {  	[tilespmem:s25], [sflag:$0x2] =	stream.linear.gather [hbm4b:s9+s4], $0x80, $0x38;
	[tilespmem:$0x1B900] =	vst v63  }
0x62: {  	_ =	swait.ge [sflag:s22], $0x80  }
0x63: {  	[sflag:s22] =	ssyncset.done $0x0  }
0x64: {  	[sflag:s22] =	ssyncadd.s32 $0xFFFFFF80  }
0x65: {  	[tilespmem:s21], [sflag:$0x1] =	stream.indirect.gather [hbm4b:s5+s26], $0x80, s24, s26, $0xb8;
	[tilespmem:$0x1B900] =	vst v63  }
0x66: {  	_ =	swait.ge [sflag:s28], $0x4000  }
0x67: {  	[sflag:s28] =	ssyncset.done $0x0  }
0x68: {  	[sflag:s28] =	ssyncadd.s32 $0xFFFFC000  }
0x69: {  	[spmem:s2] =	stream.indirect.scatter.add.f32 [tilespmem:s21], [sflag:$0x2], $0x80, s25, s26, $0xb8;
	[tilespmem:$0x1B900] =	vst v63  }
0x6a: {  	_ =	swait.ge [sflag:s22], $0x4000  }
0x6b: {  	[sflag:s22] =	ssyncset.done $0x0  }
0x6c: {  	[sflag:s22] =	ssyncadd.s32 $0xFFFFC000  }
0x6d: {  	[spmem:s3] =	stream.indirect.scatter.add.f32 [tilespmem:s29], [sflag:$0x2], $0x10, s25, s26, $0xb8;
	[tilespmem:$0x1B900] =	vst v63  }
0x6e: {  	_ =	swait.ge [sflag:s22], $0x800  }
0x6f: {  	s31 =	simm.s32 $0x10;
	s1 =	simm.s32 $0x20;
	[sflag:s22] =	ssyncset.done $0x0  }
.LBB2_8:
0x70: {  	s0 =	sadd.s32 s31, s20  }
0x71: {  	[sflag:s22] =	ssyncadd.s32 $0xFFFFF800;
	s8 =	smov.u32 s1;
	s9 =	sadd.s32 $0x10, s1  }
0x72: {  	[tilespmem:s24], [sflag:$0x2] =	stream.linear.gather [hbm4b:s0+s4], $0x80, $0x38;
	[tilespmem:$0x1B900] =	vst v63  }
0x73: {  	p0 =	sne.s32 s1, $0x4E0;
	_ =	swait.ge [sflag:s22], $0x80  }
0x74: {  	[sflag:s22] =	ssyncset.done $0x0  }
0x75: {  	s0 =	sadd.s32 s31, s19;
	s31 =	smov.u32 s8;
	[sflag:s22] =	ssyncadd.s32 $0xFFFFFF80  }
0x76: {  	[tilespmem:s25], [sflag:$0x2] =	stream.linear.gather [hbm4b:s0+s4], $0x80, $0x38;
	[tilespmem:$0x1B900] =	vst v63  }
0x77: {  	_ =	swait.ge [sflag:s22], $0x80  }
0x78: {  	[sflag:s22] =	ssyncset.done $0x0  }
0x79: {  	[sflag:s22] =	ssyncadd.s32 $0xFFFFFF80  }
0x7a: {  	[tilespmem:s21], [sflag:$0x1] =	stream.indirect.gather [hbm4b:s5+s26], $0x80, s24, s26, $0xb8;
	[tilespmem:$0x1B900] =	vst v63  }
0x7b: {  	_ =	swait.ge [sflag:s28], $0x4000  }
0x7c: {  	[sflag:s28] =	ssyncset.done $0x0  }
0x7d: {  	[sflag:s28] =	ssyncadd.s32 $0xFFFFC000  }
0x7e: {  	[spmem:s2] =	stream.indirect.scatter.add.f32 [tilespmem:s21], [sflag:$0x2], $0x80, s25, s26, $0xb8;
	[tilespmem:$0x1B900] =	vst v63  }
0x7f: {  	_ =	swait.ge [sflag:s22], $0x4000  }
.Ltmp3:
0x80: {  	[sflag:s22] =	ssyncset.done $0x0;
	(pc) =	sbr.rel @p0 .LBB2_8-.Ltmp3, $4  }
0x81: {  	[sflag:s22] =	ssyncadd.s32 $0xFFFFC000  }
0x82: {  	[spmem:s3] =	stream.indirect.scatter.add.f32 [tilespmem:s29], [sflag:$0x2], $0x10, s25, s26, $0xb8;
	[tilespmem:$0x1B900] =	vst v63  }
0x83: {  	_ =	swait.ge [sflag:s22], $0x800  }
0x84: {  	s1 =	smov.u32 s9;
	[sflag:s22] =	ssyncset.done $0x0  }
0x85: {  	s0 =	sadd.s32 s31, s20;
	[sflag:s22] =	ssyncadd.s32 $0xFFFFF800  }
0x86: {  	[tilespmem:s24], [sflag:$0x2] =	stream.linear.gather [hbm4b:s0+s4], $0x80, $0x38;
	[tilespmem:$0x1B900] =	vst v63  }
0x87: {  	_ =	swait.ge [sflag:s22], $0x80  }
0x88: {  	[sflag:s22] =	ssyncset.done $0x0  }
0x89: {  	s8 =	sadd.s32 s31, s19;
	[sflag:s22] =	ssyncadd.s32 $0xFFFFFF80  }
0x8a: {  	[tilespmem:s25], [sflag:$0x2] =	stream.linear.gather [hbm4b:s8+s4], $0x80, $0x38;
	[tilespmem:$0x1B900] =	vst v63  }
0x8b: {  	_ =	swait.ge [sflag:s22], $0x80  }
0x8c: {  	[sflag:s22] =	ssyncset.done $0x0  }
0x8d: {  	[sflag:s22] =	ssyncadd.s32 $0xFFFFFF80  }
0x8e: {  	[tilespmem:s21], [sflag:$0x1] =	stream.indirect.gather [hbm4b:s5+s26], $0x80, s24, s26, $0xb8;
	[tilespmem:$0x1B900] =	vst v63  }
0x8f: {  	_ =	swait.ge [sflag:s28], $0x4000  }
0x90: {  	[sflag:s28] =	ssyncset.done $0x0  }
0x91: {  	[sflag:s28] =	ssyncadd.s32 $0xFFFFC000  }
0x92: {  	[spmem:s2] =	stream.indirect.scatter.add.f32 [tilespmem:s21], [sflag:$0x2], $0x80, s25, s26, $0xb8;
	[tilespmem:$0x1B900] =	vst v63  }
0x93: {  	_ =	swait.ge [sflag:s22], $0x4000  }
0x94: {  	[sflag:s22] =	ssyncset.done $0x0  }
0x95: {  	[sflag:s22] =	ssyncadd.s32 $0xFFFFC000  }
0x96: {  	[spmem:s3] =	stream.indirect.scatter.add.f32 [tilespmem:s29], [sflag:$0x2], $0x10, s25, s26, $0xb8;
	[tilespmem:$0x1B900] =	vst v63  }
0x97: {  	_ =	swait.ge [sflag:s22], $0x800  }
0x98: {  	s9 =	stileid.u32;
	[sflag:s22] =	ssyncset.done $0x0  }
0x99: {  	s0 =	sshll.u32 s9, $0x6;
	[sflag:s22] =	ssyncadd.s32 $0xFFFFF800  }
0x9a: {  	s1 =	sshrl.u32 s6, $0x3;
	s0 =	sor.u32 $0x1C02, s0;
	[bflag:$0x0] =	sbarrier.arrive $0xFFFF  }
0x9b: {  	[hbm:s16], [sflag:s0] =	dma.local [spmem:s1], $0x2800  }
0x9c: {  	s30 =	sadd.s32 $0x1, s30;
	_ =	swait.ge [sflag:s22], $0x2800  }
0x9d: {  	p0 =	sne.s32 s30, s18;
	[sflag:s22] =	ssyncset.done $0x0  }
.Ltmp4:
0x9e: {  	s31 =	sshrl.u32 s7, $0x3;
	[sflag:s22] =	ssyncadd.s32 $0xFFFFD800;
	(pc) =	sbr.rel @p0 .LBB2_1-.Ltmp4, $4  }
0x9f: {  	[hbm:s17], [sflag:s0] =	dma.local [spmem:s31], $0x500  }
0xa0: {  	_ =	swait.ge [sflag:s22], $0x500  }
0xa1: {  	[sflag:s22] =	ssyncset.done $0x0  }
0xa2: {  	[sflag:s22] =	ssyncadd.s32 $0xFFFFFB00  }
0xa3: {  	_ =	sfence.sel $0x180000  }
0xa4: {  	[bflag:$0x0] =	sbarrier.arrive $0xFFFF  }
0xa5: {  	_ =	strace $0x90000047  }
0xa6: {  	s0 =	stileid.u32;
	[bflag:$0x2] =	sbarrier.arrive $0xFFFF  }
0xa7: {  	p0 =	sne.s32 s0, $0x0;
	s0 =	rddreg [dreg:$0x3]  }
0xa8: {  	s0 =	sadd.s32 @!p0 $0x100000, s0  }
0xa9: {  	[sflag:s0] =	ssyncadd.tile.s32 @!p0 $0x1;
	_ =	shalt  }
.Lfunc_end2:
_tile_overlayer_lowered:
.L_overlay_start_2:
0xaa: {  	(tag) =	ssettag $0x2  }
0xab: {  	s0 =	rddreg [dreg:$0x0];
	s2 =	stileid.u32  }
0xac: {  	s1 =	rddreg [dreg:$0x1];
	p0 =	sne.s32 s2, $0x0  }
0xad: {  	s3 =	rddreg [dreg:$0x2];
	[bflag:$0x3] =	sbarrier.arrive $0xFFFF;
	s2 =	simm.s32 @!p0 $0x1C02  }
0xae: {  	[timem:s3], [sflag:s2] =	dma.local @!p0 [hbm:s0], s1  }
0xaf: {  	s0 =	simm.s32 @!p0 $0x2  }
0xb0: {  	_ =	swait.ge @!p0 [sflag:s0], s1  }
0xb1: {  	s1 =	ssub.s32 @!p0 $0x0, s1;
	[sflag:s0] =	ssyncset.done @!p0 $0x0  }
0xb2: {  	[sflag:s0] =	ssyncadd.s32 @!p0 s1  }
0xb3: {  	[bflag:$0x3] =	sbarrier.arrive $0xFFFF  }
0xb4: {  	_ =	shalt  }

</sc_bundles>
